<compile_context>
chip_gen: v7x
topology: tpu7x:2x2x1
jax: 0.10.2.dev20260603
libtpu: 0.0.44.dev20260713+nightly
codegen_flags: <defaults>
</compile_context>

<pallas_src>
import functools

import jax
import jax.numpy as jnp
from jax import lax
from jax.experimental import pallas as pl
from jax.experimental.pallas import tpu as pltpu
from jax.experimental.pallas import tpu_sc as plsc

_T, _H, _E, _K = 2048, 1024, 8, 2
_F, _FS = 768, 2048
_M = 256
_NT = (_K * _T) // _M + _E
_NTM = _NT * _M
_MT = 256
_NW = 32


def _router_body(x_ref, rw_ref, gp_ref, idx_ref, w_ref, gate_ref):
    x = x_ref[...]
    gate_ref[...] = lax.logistic(
        lax.dot_general(x, gp_ref[...], (((1,), (1,)), ((), ())),
                        preferred_element_type=jnp.float32))
    logits = lax.dot_general(x, rw_ref[...], (((1,), (1,)), ((), ())),
                             preferred_element_type=jnp.float32)
    lane = lax.broadcasted_iota(jnp.int32, (_T, _E), 1)
    m = jnp.max(logits, axis=1, keepdims=True)
    ex = jnp.exp(logits - m)
    probs = ex / jnp.sum(ex, axis=1, keepdims=True)
    big = jnp.int32(_E)
    m0 = jnp.max(probs, axis=1, keepdims=True)
    i0 = jnp.min(jnp.where(probs == m0, lane, big), axis=1, keepdims=True)
    probs1 = jnp.where(lane == i0, -1.0, probs)
    m1 = jnp.max(probs1, axis=1, keepdims=True)
    i1 = jnp.min(jnp.where(probs1 == m1, lane, big), axis=1, keepdims=True)
    s = m0 + m1
    idx_ref[...] = jnp.concatenate([i0, i1], axis=1)
    w_ref[...] = jnp.concatenate([m0 / s, m1 / s], axis=1)


def _expert_body(te_ref, x_ref, g_ref, u_ref, d_ref, dep_ref, o_ref,
                 gb_ref, ub_ref, db_ref):
    i = pl.program_id(0)
    act = te_ref[1, i] != 0
    changed = jnp.logical_or(
        i == 0, te_ref[0, i] != te_ref[0, jnp.maximum(i - 1, 0)])

    @pl.when(jnp.logical_and(act, changed))
    def _():
        gb_ref[...] = g_ref[0].astype(jnp.bfloat16)
        ub_ref[...] = u_ref[0].astype(jnp.bfloat16)
        db_ref[...] = d_ref[0].astype(jnp.bfloat16)

    @pl.when(act)
    def _():
        xb = x_ref[...].astype(jnp.bfloat16)
        g = lax.dot_general(xb, gb_ref[...], (((1,), (1,)), ((), ())),
                            preferred_element_type=jnp.float32)
        u = lax.dot_general(xb, ub_ref[...], (((1,), (1,)), ((), ())),
                            preferred_element_type=jnp.float32)
        a = (g * lax.logistic(g) * u).astype(jnp.bfloat16)
        o_ref[...] = lax.dot_general(a, db_ref[...], (((1,), (1,)), ((), ())),
                                     preferred_element_type=jnp.float32)


def _shared_body(x_ref, sg_ref, su_ref, sd_ref, o_ref, sgb_ref, sub_ref,
                 sdb_ref):
    @pl.when(pl.program_id(0) == 0)
    def _():
        sgb_ref[...] = sg_ref[...].astype(jnp.bfloat16)
        sub_ref[...] = su_ref[...].astype(jnp.bfloat16)
        sdb_ref[...] = sd_ref[...].astype(jnp.bfloat16)

    xb = x_ref[...].astype(jnp.bfloat16)
    g = lax.dot_general(xb, sgb_ref[...], (((1,), (1,)), ((), ())),
                        preferred_element_type=jnp.float32)
    u = lax.dot_general(xb, sub_ref[...], (((1,), (1,)), ((), ())),
                        preferred_element_type=jnp.float32)
    a = (g * lax.logistic(g) * u).astype(jnp.bfloat16)
    o_ref[...] = (lax.dot_general(a, sdb_ref[...], (((1,), (1,)), ((), ())),
                                  preferred_element_type=jnp.float32)
                  .astype(jnp.bfloat16))


def _combine_body(gate_ref, sa_ref, sb_ref, r0_ref, r1_ref, tw_ref, o_ref):
    tw = tw_ref[...]
    sh = (sa_ref[...].astype(jnp.float32) + sb_ref[...].astype(jnp.float32))
    o_ref[...] = (gate_ref[...] * sh
                  + tw[:, 0:1] * r0_ref[...]
                  + tw[:, 1:2] * r1_ref[...])


def _scatter_rows(hs, pos, nch, ch, n_out):
    idx3 = pos.reshape(_NW, nch, ch)
    mesh = plsc.VectorSubcoreMesh(core_axis_name="c", subcore_axis_name="s")

    @functools.partial(
        pl.kernel, mesh=mesh,
        out_type=jax.ShapeDtypeStruct((n_out, _H), jnp.float32),
        scratch_types=[
            pltpu.VMEM((nch, ch), jnp.int32),
            pltpu.VMEM((ch, _H), jnp.float32),
            pltpu.VMEM((ch, _H), jnp.float32),
            pltpu.SemaphoreType.DMA,
            pltpu.SemaphoreType.DMA,
        ],
    )
    def k(hs_hbm, idx_hbm, out_hbm, idx_v, b0, b1, s0, s1):
        wid = lax.axis_index("s") * 2 + lax.axis_index("c")
        row0 = (wid % 16) * (nch * ch)
        pltpu.sync_copy(idx_hbm.at[wid], idx_v)
        bufs, sems = [b0, b1], [s0, s1]
        wb = [None, None]
        for c in range(nch):
            b = c % 2
            if wb[b] is not None:
                wb[b].wait()
            pltpu.sync_copy(hs_hbm.at[pl.ds(row0 + c * ch, ch)], bufs[b])
            wb[b] = pltpu.async_copy(bufs[b], out_hbm.at[idx_v.at[c]], sems[b])
        wb[0].wait()
        if wb[1] is not None:
            wb[1].wait()

    return k(hs, idx3)


def _gather_rows(table, idx, nch, ch):
    d = table.shape[1]
    b = _NW * nch * ch
    idx3 = idx.reshape(_NW, nch, ch)
    mesh = plsc.VectorSubcoreMesh(core_axis_name="c", subcore_axis_name="s")

    @functools.partial(
        pl.kernel, mesh=mesh,
        out_type=jax.ShapeDtypeStruct((b, d), jnp.float32),
        scratch_types=[
            pltpu.VMEM((nch, ch), jnp.int32),
            pltpu.VMEM((ch, d), jnp.float32),
            pltpu.VMEM((ch, d), jnp.float32),
            pltpu.SemaphoreType.DMA,
            pltpu.SemaphoreType.DMA,
            pltpu.SemaphoreType.DMA,
            pltpu.SemaphoreType.DMA,
        ],
    )
    def k(table_hbm, idx_hbm, out_hbm, idx_v, r0, r1, g0, g1, w0, w1):
        wid = lax.axis_index("s") * 2 + lax.axis_index("c")
        base = wid * (nch * ch)
        pltpu.sync_copy(idx_hbm.at[wid], idx_v)
        bufs, gsem, wsem = [r0, r1], [g0, g1], [w0, w1]
        gat = [None] * nch
        wb = [None] * nch
        gat[0] = pltpu.async_copy(table_hbm.at[idx_v.at[0]], bufs[0], gsem[0])
        for c in range(nch):
            if c + 1 < nch:
                if c - 1 >= 0:
                    wb[c - 1].wait()
                gat[c + 1] = pltpu.async_copy(
                    table_hbm.at[idx_v.at[c + 1]], bufs[(c + 1) % 2],
                    gsem[(c + 1) % 2])
            gat[c].wait()
            wb[c] = pltpu.async_copy(
                bufs[c % 2], out_hbm.at[pl.ds(base + c * ch, ch)], wsem[c % 2])
        for c in range(max(0, nch - 2), nch):
            wb[c].wait()

    return k(table, idx3)


def kernel(hidden_states, router_w, gate_w, up_w, down_w, sg_w, su_w, sd_w,
           shared_gate_w):
    hs = hidden_states.reshape(_T, _H)

    top_i, top_w, gate = pl.pallas_call(
        _router_body,
        out_shape=(jax.ShapeDtypeStruct((_T, _K), jnp.int32),
                   jax.ShapeDtypeStruct((_T, _K), jnp.float32),
                   jax.ShapeDtypeStruct((_T, 1), jnp.float32)),
    )(hs, router_w, shared_gate_w)

    e_flat = jnp.concatenate([top_i[:, 0], top_i[:, 1]])
    onehot = (e_flat[:, None] == jnp.arange(_E)[None, :]).astype(jnp.int32)
    ranks_excl = jnp.cumsum(onehot, axis=0) - onehot
    rank = jnp.sum(ranks_excl * onehot, axis=1)
    counts = jnp.sum(onehot, axis=0)
    tiles_per_e = (counts + _M - 1) // _M
    tile_off = jnp.concatenate([jnp.zeros(1, jnp.int32),
                                jnp.cumsum(tiles_per_e)[:-1].astype(jnp.int32)])
    pos = jnp.sum(onehot * (tile_off * _M)[None, :], axis=1) + rank
    ends = tile_off + tiles_per_e
    te_raw = jnp.sum(jnp.arange(_NT)[:, None] >= ends[None, :], axis=1)
    last_e = jnp.max(jnp.where(counts > 0, jnp.arange(_E), -1))
    tile_expert = jnp.where(te_raw >= _E, last_e, te_raw).astype(jnp.int32)
    n_active = jnp.sum(tiles_per_e)
    active = (jnp.arange(_NT) < n_active).astype(jnp.int32)
    te_act = jnp.stack([tile_expert, active])

    ch1 = (2 * _T) // (_NW * 4)
    x_sorted = _scatter_rows(hs, pos, 4, ch1, _NTM)

    fs2 = _FS // 2

    def _shared_half(half):
        return pl.pallas_call(
            _shared_body,
            grid=(_T // _MT,),
            in_specs=[
                pl.BlockSpec((_MT, _H), lambda i: (i, 0)),
                pl.BlockSpec((fs2, _H), lambda i: (half, 0)),
                pl.BlockSpec((fs2, _H), lambda i: (half, 0)),
                pl.BlockSpec((_H, fs2), lambda i: (0, half)),
            ],
            out_specs=pl.BlockSpec((_MT, _H), lambda i: (i, 0)),
            out_shape=jax.ShapeDtypeStruct((_T, _H), jnp.bfloat16),
            scratch_shapes=[
                pltpu.VMEM((fs2, _H), jnp.bfloat16),
                pltpu.VMEM((fs2, _H), jnp.bfloat16),
                pltpu.VMEM((_H, fs2), jnp.bfloat16),
            ],
        )(hs, sg_w, su_w, sd_w)

    shared_a = _shared_half(0)

    grid_spec = pltpu.PrefetchScalarGridSpec(
        num_scalar_prefetch=1,
        grid=(_NT,),
        in_specs=[
            pl.BlockSpec((_M, _H), lambda i, te: (i, 0)),
            pl.BlockSpec((1, _F, _H), lambda i, te: (te[0, i], 0, 0)),
            pl.BlockSpec((1, _F, _H), lambda i, te: (te[0, i], 0, 0)),
            pl.BlockSpec((1, _H, _F), lambda i, te: (te[0, i], 0, 0)),
            pl.BlockSpec((8, 128), lambda i, te: (0, 0)),
        ],
        out_specs=pl.BlockSpec((_M, _H), lambda i, te: (i, 0)),
        scratch_shapes=[
            pltpu.VMEM((_F, _H), jnp.bfloat16),
            pltpu.VMEM((_F, _H), jnp.bfloat16),
            pltpu.VMEM((_H, _F), jnp.bfloat16),
        ],
    )
    contrib = pl.pallas_call(
        _expert_body,
        grid_spec=grid_spec,
        out_shape=jax.ShapeDtypeStruct((_NTM, _H), jnp.float32),
        compiler_params=pltpu.CompilerParams(
            dimension_semantics=("arbitrary",)),
    )(te_act, x_sorted, gate_w, up_w, down_w, shared_a)

    ch2 = (2 * _T) // (_NW * 4)
    rows_g = _gather_rows(contrib, pos, 4, ch2)

    shared_b = _shared_half(1)

    nmt = _T // _MT
    out = pl.pallas_call(
        _combine_body,
        grid=(nmt,),
        in_specs=[
            pl.BlockSpec((_MT, 1), lambda i: (i, 0)),
            pl.BlockSpec((_MT, _H), lambda i: (i, 0)),
            pl.BlockSpec((_MT, _H), lambda i: (i, 0)),
            pl.BlockSpec((_MT, _H), lambda i: (i, 0)),
            pl.BlockSpec((_MT, _H), lambda i: (i + nmt, 0)),
            pl.BlockSpec((_MT, _K), lambda i: (i, 0)),
        ],
        out_specs=pl.BlockSpec((_MT, _H), lambda i: (i, 0)),
        out_shape=jax.ShapeDtypeStruct((_T, _H), jnp.float32),
    )(gate, shared_a, shared_b, rows_g, rows_g, top_w)

    return out.reshape(1, _T, _H)

# --- scband reference (transcript-rebuilt; emitter-appended) ---
"""Pipeline reference for scband-linear-qwen3-omni-moe-talker-text-sparse-moe-block-34041910788785 (READ-ONLY COPY).

The authoritative reference and input builder live on the scoring server;
editing this copy changes nothing except your own understanding.
"""

import jax, jax.numpy as jnp
import numpy as np

B, S, H = 1, 2048, 1024
E, K = 8, 2
F = 768      # moe_intermediate_size
FS = 2048    # shared_expert_intermediate_size
NORM_TOPK = True


def silu(x):
    return x * jax.nn.sigmoid(x)


def setup_inputs(seed: int = 0) -> dict:
    key = jax.random.key(seed)
    ks = jax.random.split(key, 10)
    sc = 0.05
    return {
        "hidden_states": jax.random.normal(ks[0], (B, S, H), dtype=jnp.float32),
        "router_w": jax.random.normal(ks[1], (E, H), dtype=jnp.float32) * sc,
        "gate_w": jax.random.normal(ks[2], (E, F, H), dtype=jnp.float32) * sc,
        "up_w": jax.random.normal(ks[3], (E, F, H), dtype=jnp.float32) * sc,
        "down_w": jax.random.normal(ks[4], (E, H, F), dtype=jnp.float32) * sc,
        "sg_w": jax.random.normal(ks[5], (FS, H), dtype=jnp.float32) * sc,
        "su_w": jax.random.normal(ks[6], (FS, H), dtype=jnp.float32) * sc,
        "sd_w": jax.random.normal(ks[7], (H, FS), dtype=jnp.float32) * sc,
        "shared_gate_w": jax.random.normal(ks[8], (1, H), dtype=jnp.float32) * sc,
    }


def reference(hidden_states, router_w, gate_w, up_w, down_w, sg_w, su_w, sd_w, shared_gate_w):
    b, s, h = hidden_states.shape
    hs = hidden_states.reshape(-1, h)            # [T, H]
    T = hs.shape[0]

    # shared expert (SwiGLU MLP)
    shared = (silu(hs @ sg_w.T) * (hs @ su_w.T)) @ sd_w.T   # [T, H]

    # router: softmax over all experts, then top-k
    logits = hs @ router_w.T                                 # [T, E]
    probs = jax.nn.softmax(logits, axis=-1)
    top_w, top_i = jax.lax.top_k(probs, K)                   # [T, K]
    if NORM_TOPK:
        top_w = top_w / jnp.sum(top_w, axis=-1, keepdims=True)
    top_w = top_w.astype(hs.dtype)

    # routed experts: dense per-expert compute, masked combine (math-identical to dispatch)
    def one_expert(gw, uw, dw):
        return (silu(hs @ gw.T) * (hs @ uw.T)) @ dw.T        # [T, H]

    expert_outs = jax.vmap(one_expert)(gate_w, up_w, down_w)  # [E, T, H]

    # scatter routing weights into dense [T, E] map
    w_dense = jnp.zeros((T, E), dtype=hs.dtype).at[
        jnp.arange(T)[:, None], top_i
    ].add(top_w)
    routed = jnp.einsum('te,eth->th', w_dense, expert_outs)   # [T, H]

    shared_gated = jax.nn.sigmoid(hs @ shared_gate_w.T) * shared
    final = routed + shared_gated
    return final.reshape(b, s, h)

if __name__ == "__main__":
    import jax
    _d = setup_inputs()
    print(jax.jit(kernel)(*tuple(_d.values())))

</pallas_src>

<mosaic_0001>
#map = affine_map<(d0, d1) -> (0, 0)>
#map1 = affine_map<(d0, d1) -> (0, 0, 0)>
module attributes {stable_mosaic.version = 14 : i64} {
  func.func @k(%arg0: i32, %arg1: i32, %arg2: memref<6144x1024xf32, #tpu.memory_space<hbm>>, %arg3: memref<32x4x32xi32, #tpu.memory_space<hbm>>, %arg4: memref<4096x1024xf32, #tpu.memory_space<hbm>>, %arg5: memref<4x32xi32, #tpu.memory_space<vmem>>, %arg6: memref<32x1024xf32, #tpu.memory_space<vmem>>, %arg7: memref<32x1024xf32, #tpu.memory_space<vmem>>, %arg8: memref<!tpu.dma_semaphore, #tpu.memory_space<semaphore_mem>>, %arg9: memref<!tpu.dma_semaphore, #tpu.memory_space<semaphore_mem>>, %arg10: memref<!tpu.dma_semaphore, #tpu.memory_space<semaphore_mem>>, %arg11: memref<!tpu.dma_semaphore, #tpu.memory_space<semaphore_mem>>) attributes {dimension_semantics = [#tpu.dimension_semantics<core_parallel>, #tpu.dimension_semantics<subcore_parallel>], iteration_bounds = array<i64: 2, 16>, scalar_prefetch = 0 : i64, scratch_operands = 7 : i64, tpu.core_type = #tpu.core_type<sc_vector_subcore>, window_params = [{transform_indices = #map}, {transform_indices = #map1}, {transform_indices = #map}]} {
    %mul3A = arith.constant 2 : i32
    %mul3A_0 = arith.muli %arg1, %mul3A : i32
    %add3A = arith.addi %mul3A_0, %arg0 : i32
    %mul3A_1 = arith.constant 128 : i32
    %mul3A_2 = arith.muli %add3A, %mul3A_1 : i32
    "tpu.region"() ({
      %run_scoped3A = tpu.sem_alloc : memref<!tpu.dma_semaphore, #tpu.memory_space<semaphore_mem>>
      %dma_start3A_97 = arith.constant 0 : i32
      %dma_start3A_98 = arith.constant 0 : i32
      %dma_start3A_99 = tpu.memref_slice %arg3[%add3A, %dma_start3A_97, %dma_start3A_98] : memref<32x4x32xi32, #tpu.memory_space<hbm>> -> memref<1x4x32xi32, #tpu.memory_space<hbm>>
      %dma_start3A_100 = tpu.memref_squeeze %dma_start3A_99 : memref<1x4x32xi32, #tpu.memory_space<hbm>> -> memref<4x32xi32, #tpu.memory_space<hbm>>
      %dma_start3A_101 = arith.constant 0 : i32
      %dma_start3A_102 = arith.constant 0 : i32
      %dma_start3A_103 = tpu.memref_slice %arg3[%add3A, %dma_start3A_101, %dma_start3A_102] : memref<32x4x32xi32, #tpu.memory_space<hbm>> -> memref<1x4x32xi32, #tpu.memory_space<hbm>>
      %dma_start3A_104 = tpu.memref_squeeze %dma_start3A_103 : memref<1x4x32xi32, #tpu.memory_space<hbm>> -> memref<4x32xi32, #tpu.memory_space<hbm>>
      tpu.enqueue_dma source(%dma_start3A_104 : memref<4x32xi32, #tpu.memory_space<hbm>>) target(%arg5 : memref<4x32xi32, #tpu.memory_space<vmem>>) target_semaphore(%run_scoped3A : memref<!tpu.dma_semaphore, #tpu.memory_space<semaphore_mem>>)
      %dma_wait3A_105 = arith.constant 0 : i32
      %dma_wait3A_106 = arith.constant 0 : i32
      %dma_wait3A_107 = tpu.memref_slice %arg3[%add3A, %dma_wait3A_105, %dma_wait3A_106] : memref<32x4x32xi32, #tpu.memory_space<hbm>> -> memref<1x4x32xi32, #tpu.memory_space<hbm>>
      %dma_wait3A_108 = tpu.memref_squeeze %dma_wait3A_107 : memref<1x4x32xi32, #tpu.memory_space<hbm>> -> memref<4x32xi32, #tpu.memory_space<hbm>>
      %dma_wait3A_109 = arith.constant 0 : i32
      %dma_wait3A_110 = arith.constant 0 : i32
      %dma_wait3A_111 = tpu.memref_slice %arg3[%add3A, %dma_wait3A_109, %dma_wait3A_110] : memref<32x4x32xi32, #tpu.memory_space<hbm>> -> memref<1x4x32xi32, #tpu.memory_space<hbm>>
      %dma_wait3A_112 = tpu.memref_squeeze %dma_wait3A_111 : memref<1x4x32xi32, #tpu.memory_space<hbm>> -> memref<4x32xi32, #tpu.memory_space<hbm>>
      tpu.wait_dma2 semaphore(%run_scoped3A : memref<!tpu.dma_semaphore, #tpu.memory_space<semaphore_mem>>) src(%dma_wait3A_112 : memref<4x32xi32, #tpu.memory_space<hbm>>) dst(%arg5 : memref<4x32xi32, #tpu.memory_space<vmem>>)
      tpu.yield
    }) : () -> ()
    %dma_start3A = arith.constant 0 : i32
    %dma_start3A_3 = arith.constant 0 : i32
    %dma_start3A_4 = tpu.memref_slice %arg5[%dma_start3A, %dma_start3A_3] : memref<4x32xi32, #tpu.memory_space<vmem>> -> memref<1x32xi32, #tpu.memory_space<vmem>>
    %dma_start3A_5 = tpu.memref_squeeze %dma_start3A_4 : memref<1x32xi32, #tpu.memory_space<vmem>> -> memref<32xi32, #tpu.memory_space<vmem>>
    %dma_start3A_6 = arith.constant 0 : i32
    %dma_start3A_7 = arith.constant 0 : i32
    %dma_start3A_8 = tpu.memref_slice %arg2[%dma_start3A_6, %dma_start3A_7] : memref<6144x1024xf32, #tpu.memory_space<hbm>> -> memref<6144x1024xf32, #tpu.memory_space<hbm>>
    tpu.enqueue_indirect_dma source(%dma_start3A_8 : memref<6144x1024xf32, #tpu.memory_space<hbm>>) target(%arg6 : memref<32x1024xf32, #tpu.memory_space<vmem>>) offsets(%dma_start3A_5 : memref<32xi32, #tpu.memory_space<vmem>>) semaphore(%arg8 : memref<!tpu.dma_semaphore, #tpu.memory_space<semaphore_mem>>)
    %dma_start3A_9 = arith.constant 1 : i32
    %dma_start3A_10 = arith.constant 0 : i32
    %dma_start3A_11 = tpu.memref_slice %arg5[%dma_start3A_9, %dma_start3A_10] : memref<4x32xi32, #tpu.memory_space<vmem>> -> memref<1x32xi32, #tpu.memory_space<vmem>>
    %dma_start3A_12 = tpu.memref_squeeze %dma_start3A_11 : memref<1x32xi32, #tpu.memory_space<vmem>> -> memref<32xi32, #tpu.memory_space<vmem>>
    %dma_start3A_13 = arith.constant 0 : i32
    %dma_start3A_14 = arith.constant 0 : i32
    %dma_start3A_15 = tpu.memref_slice %arg2[%dma_start3A_13, %dma_start3A_14] : memref<6144x1024xf32, #tpu.memory_space<hbm>> -> memref<6144x1024xf32, #tpu.memory_space<hbm>>
    tpu.enqueue_indirect_dma source(%dma_start3A_15 : memref<6144x1024xf32, #tpu.memory_space<hbm>>) target(%arg7 : memref<32x1024xf32, #tpu.memory_space<vmem>>) offsets(%dma_start3A_12 : memref<32xi32, #tpu.memory_space<vmem>>) semaphore(%arg9 : memref<!tpu.dma_semaphore, #tpu.memory_space<semaphore_mem>>)
    %dma_wait3A = arith.constant 0 : i32
    %dma_wait3A_16 = arith.constant 0 : i32
    %dma_wait3A_17 = tpu.memref_slice %arg5[%dma_wait3A, %dma_wait3A_16] : memref<4x32xi32, #tpu.memory_space<vmem>> -> memref<1x32xi32, #tpu.memory_space<vmem>>
    %dma_wait3A_18 = tpu.memref_squeeze %dma_wait3A_17 : memref<1x32xi32, #tpu.memory_space<vmem>> -> memref<32xi32, #tpu.memory_space<vmem>>
    %dma_wait3A_19 = arith.constant 0 : i32
    %dma_wait3A_20 = arith.constant 0 : i32
    %dma_wait3A_21 = tpu.memref_slice %arg2[%dma_wait3A_19, %dma_wait3A_20] : memref<6144x1024xf32, #tpu.memory_space<hbm>> -> memref<6144x1024xf32, #tpu.memory_space<hbm>>
    tpu.wait_indirect_dma semaphore(%arg8 : memref<!tpu.dma_semaphore, #tpu.memory_space<semaphore_mem>>) src(%dma_wait3A_21 : memref<6144x1024xf32, #tpu.memory_space<hbm>>) dst(%arg6 : memref<32x1024xf32, #tpu.memory_space<vmem>>)
    %add3A_22 = arith.constant 0 : i32
    %add3A_23 = arith.addi %mul3A_2, %add3A_22 : i32
    %dma_start3A_24 = arith.constant 0 : i32
    %dma_start3A_25 = tpu.memref_slice %arg4[%add3A_23, %dma_start3A_24] : memref<4096x1024xf32, #tpu.memory_space<hbm>> -> memref<32x1024xf32, #tpu.memory_space<hbm>>
    %dma_start3A_26 = arith.constant 0 : i32
    %dma_start3A_27 = tpu.memref_slice %arg4[%add3A_23, %dma_start3A_26] : memref<4096x1024xf32, #tpu.memory_space<hbm>> -> memref<32x1024xf32, #tpu.memory_space<hbm>>
    tpu.enqueue_dma source(%arg6 : memref<32x1024xf32, #tpu.memory_space<vmem>>) target(%dma_start3A_27 : memref<32x1024xf32, #tpu.memory_space<hbm>>) target_semaphore(%arg10 : memref<!tpu.dma_semaphore, #tpu.memory_space<semaphore_mem>>)
    %dma_wait3A_28 = arith.constant 0 : i32
    %dma_wait3A_29 = tpu.memref_slice %arg4[%add3A_23, %dma_wait3A_28] : memref<4096x1024xf32, #tpu.memory_space<hbm>> -> memref<32x1024xf32, #tpu.memory_space<hbm>>
    %dma_wait3A_30 = arith.constant 0 : i32
    %dma_wait3A_31 = tpu.memref_slice %arg4[%add3A_23, %dma_wait3A_30] : memref<4096x1024xf32, #tpu.memory_space<hbm>> -> memref<32x1024xf32, #tpu.memory_space<hbm>>
    tpu.wait_dma2 semaphore(%arg10 : memref<!tpu.dma_semaphore, #tpu.memory_space<semaphore_mem>>) src(%arg6 : memref<32x1024xf32, #tpu.memory_space<vmem>>) dst(%dma_wait3A_31 : memref<32x1024xf32, #tpu.memory_space<hbm>>)
    %dma_start3A_32 = arith.constant 2 : i32
    %dma_start3A_33 = arith.constant 0 : i32
    %dma_start3A_34 = tpu.memref_slice %arg5[%dma_start3A_32, %dma_start3A_33] : memref<4x32xi32, #tpu.memory_space<vmem>> -> memref<1x32xi32, #tpu.memory_space<vmem>>
    %dma_start3A_35 = tpu.memref_squeeze %dma_start3A_34 : memref<1x32xi32, #tpu.memory_space<vmem>> -> memref<32xi32, #tpu.memory_space<vmem>>
    %dma_start3A_36 = arith.constant 0 : i32
    %dma_start3A_37 = arith.constant 0 : i32
    %dma_start3A_38 = tpu.memref_slice %arg2[%dma_start3A_36, %dma_start3A_37] : memref<6144x1024xf32, #tpu.memory_space<hbm>> -> memref<6144x1024xf32, #tpu.memory_space<hbm>>
    tpu.enqueue_indirect_dma source(%dma_start3A_38 : memref<6144x1024xf32, #tpu.memory_space<hbm>>) target(%arg6 : memref<32x1024xf32, #tpu.memory_space<vmem>>) offsets(%dma_start3A_35 : memref<32xi32, #tpu.memory_space<vmem>>) semaphore(%arg8 : memref<!tpu.dma_semaphore, #tpu.memory_space<semaphore_mem>>)
    %dma_wait3A_39 = arith.constant 1 : i32
    %dma_wait3A_40 = arith.constant 0 : i32
    %dma_wait3A_41 = tpu.memref_slice %arg5[%dma_wait3A_39, %dma_wait3A_40] : memref<4x32xi32, #tpu.memory_space<vmem>> -> memref<1x32xi32, #tpu.memory_space<vmem>>
    %dma_wait3A_42 = tpu.memref_squeeze %dma_wait3A_41 : memref<1x32xi32, #tpu.memory_space<vmem>> -> memref<32xi32, #tpu.memory_space<vmem>>
    %dma_wait3A_43 = arith.constant 0 : i32
    %dma_wait3A_44 = arith.constant 0 : i32
    %dma_wait3A_45 = tpu.memref_slice %arg2[%dma_wait3A_43, %dma_wait3A_44] : memref<6144x1024xf32, #tpu.memory_space<hbm>> -> memref<6144x1024xf32, #tpu.memory_space<hbm>>
    tpu.wait_indirect_dma semaphore(%arg9 : memref<!tpu.dma_semaphore, #tpu.memory_space<semaphore_mem>>) src(%dma_wait3A_45 : memref<6144x1024xf32, #tpu.memory_space<hbm>>) dst(%arg7 : memref<32x1024xf32, #tpu.memory_space<vmem>>)
    %add3A_46 = arith.constant 32 : i32
    %add3A_47 = arith.addi %mul3A_2, %add3A_46 : i32
    %dma_start3A_48 = arith.constant 0 : i32
    %dma_start3A_49 = tpu.memref_slice %arg4[%add3A_47, %dma_start3A_48] : memref<4096x1024xf32, #tpu.memory_space<hbm>> -> memref<32x1024xf32, #tpu.memory_space<hbm>>
    %dma_start3A_50 = arith.constant 0 : i32
    %dma_start3A_51 = tpu.memref_slice %arg4[%add3A_47, %dma_start3A_50] : memref<4096x1024xf32, #tpu.memory_space<hbm>> -> memref<32x1024xf32, #tpu.memory_space<hbm>>
    tpu.enqueue_dma source(%arg7 : memref<32x1024xf32, #tpu.memory_space<vmem>>) target(%dma_start3A_51 : memref<32x1024xf32, #tpu.memory_space<hbm>>) target_semaphore(%arg11 : memref<!tpu.dma_semaphore, #tpu.memory_space<semaphore_mem>>)
    %dma_wait3A_52 = arith.constant 0 : i32
    %dma_wait3A_53 = tpu.memref_slice %arg4[%add3A_47, %dma_wait3A_52] : memref<4096x1024xf32, #tpu.memory_space<hbm>> -> memref<32x1024xf32, #tpu.memory_space<hbm>>
    %dma_wait3A_54 = arith.constant 0 : i32
    %dma_wait3A_55 = tpu.memref_slice %arg4[%add3A_47, %dma_wait3A_54] : memref<4096x1024xf32, #tpu.memory_space<hbm>> -> memref<32x1024xf32, #tpu.memory_space<hbm>>
    tpu.wait_dma2 semaphore(%arg11 : memref<!tpu.dma_semaphore, #tpu.memory_space<semaphore_mem>>) src(%arg7 : memref<32x1024xf32, #tpu.memory_space<vmem>>) dst(%dma_wait3A_55 : memref<32x1024xf32, #tpu.memory_space<hbm>>)
    %dma_start3A_56 = arith.constant 3 : i32
    %dma_start3A_57 = arith.constant 0 : i32
    %dma_start3A_58 = tpu.memref_slice %arg5[%dma_start3A_56, %dma_start3A_57] : memref<4x32xi32, #tpu.memory_space<vmem>> -> memref<1x32xi32, #tpu.memory_space<vmem>>
    %dma_start3A_59 = tpu.memref_squeeze %dma_start3A_58 : memref<1x32xi32, #tpu.memory_space<vmem>> -> memref<32xi32, #tpu.memory_space<vmem>>
    %dma_start3A_60 = arith.constant 0 : i32
    %dma_start3A_61 = arith.constant 0 : i32
    %dma_start3A_62 = tpu.memref_slice %arg2[%dma_start3A_60, %dma_start3A_61] : memref<6144x1024xf32, #tpu.memory_space<hbm>> -> memref<6144x1024xf32, #tpu.memory_space<hbm>>
    tpu.enqueue_indirect_dma source(%dma_start3A_62 : memref<6144x1024xf32, #tpu.memory_space<hbm>>) target(%arg7 : memref<32x1024xf32, #tpu.memory_space<vmem>>) offsets(%dma_start3A_59 : memref<32xi32, #tpu.memory_space<vmem>>) semaphore(%arg9 : memref<!tpu.dma_semaphore, #tpu.memory_space<semaphore_mem>>)
    %dma_wait3A_63 = arith.constant 2 : i32
    %dma_wait3A_64 = arith.constant 0 : i32
    %dma_wait3A_65 = tpu.memref_slice %arg5[%dma_wait3A_63, %dma_wait3A_64] : memref<4x32xi32, #tpu.memory_space<vmem>> -> memref<1x32xi32, #tpu.memory_space<vmem>>
    %dma_wait3A_66 = tpu.memref_squeeze %dma_wait3A_65 : memref<1x32xi32, #tpu.memory_space<vmem>> -> memref<32xi32, #tpu.memory_space<vmem>>
    %dma_wait3A_67 = arith.constant 0 : i32
    %dma_wait3A_68 = arith.constant 0 : i32
    %dma_wait3A_69 = tpu.memref_slice %arg2[%dma_wait3A_67, %dma_wait3A_68] : memref<6144x1024xf32, #tpu.memory_space<hbm>> -> memref<6144x1024xf32, #tpu.memory_space<hbm>>
    tpu.wait_indirect_dma semaphore(%arg8 : memref<!tpu.dma_semaphore, #tpu.memory_space<semaphore_mem>>) src(%dma_wait3A_69 : memref<6144x1024xf32, #tpu.memory_space<hbm>>) dst(%arg6 : memref<32x1024xf32, #tpu.memory_space<vmem>>)
    %add3A_70 = arith.constant 64 : i32
    %add3A_71 = arith.addi %mul3A_2, %add3A_70 : i32
    %dma_start3A_72 = arith.constant 0 : i32
    %dma_start3A_73 = tpu.memref_slice %arg4[%add3A_71, %dma_start3A_72] : memref<4096x1024xf32, #tpu.memory_space<hbm>> -> memref<32x1024xf32, #tpu.memory_space<hbm>>
    %dma_start3A_74 = arith.constant 0 : i32
    %dma_start3A_75 = tpu.memref_slice %arg4[%add3A_71, %dma_start3A_74] : memref<4096x1024xf32, #tpu.memory_space<hbm>> -> memref<32x1024xf32, #tpu.memory_space<hbm>>
    tpu.enqueue_dma source(%arg6 : memref<32x1024xf32, #tpu.memory_space<vmem>>) target(%dma_start3A_75 : memref<32x1024xf32, #tpu.memory_space<hbm>>) target_semaphore(%arg10 : memref<!tpu.dma_semaphore, #tpu.memory_space<semaphore_mem>>)
    %dma_wait3A_76 = arith.constant 3 : i32
    %dma_wait3A_77 = arith.constant 0 : i32
    %dma_wait3A_78 = tpu.memref_slice %arg5[%dma_wait3A_76, %dma_wait3A_77] : memref<4x32xi32, #tpu.memory_space<vmem>> -> memref<1x32xi32, #tpu.memory_space<vmem>>
    %dma_wait3A_79 = tpu.memref_squeeze %dma_wait3A_78 : memref<1x32xi32, #tpu.memory_space<vmem>> -> memref<32xi32, #tpu.memory_space<vmem>>
    %dma_wait3A_80 = arith.constant 0 : i32
    %dma_wait3A_81 = arith.constant 0 : i32
    %dma_wait3A_82 = tpu.memref_slice %arg2[%dma_wait3A_80, %dma_wait3A_81] : memref<6144x1024xf32, #tpu.memory_space<hbm>> -> memref<6144x1024xf32, #tpu.memory_space<hbm>>
    tpu.wait_indirect_dma semaphore(%arg9 : memref<!tpu.dma_semaphore, #tpu.memory_space<semaphore_mem>>) src(%dma_wait3A_82 : memref<6144x1024xf32, #tpu.memory_space<hbm>>) dst(%arg7 : memref<32x1024xf32, #tpu.memory_space<vmem>>)
    %add3A_83 = arith.constant 96 : i32
    %add3A_84 = arith.addi %mul3A_2, %add3A_83 : i32
    %dma_start3A_85 = arith.constant 0 : i32
    %dma_start3A_86 = tpu.memref_slice %arg4[%add3A_84, %dma_start3A_85] : memref<4096x1024xf32, #tpu.memory_space<hbm>> -> memref<32x1024xf32, #tpu.memory_space<hbm>>
    %dma_start3A_87 = arith.constant 0 : i32
    %dma_start3A_88 = tpu.memref_slice %arg4[%add3A_84, %dma_start3A_87] : memref<4096x1024xf32, #tpu.memory_space<hbm>> -> memref<32x1024xf32, #tpu.memory_space<hbm>>
    tpu.enqueue_dma source(%arg7 : memref<32x1024xf32, #tpu.memory_space<vmem>>) target(%dma_start3A_88 : memref<32x1024xf32, #tpu.memory_space<hbm>>) target_semaphore(%arg11 : memref<!tpu.dma_semaphore, #tpu.memory_space<semaphore_mem>>)
    %dma_wait3A_89 = arith.constant 0 : i32
    %dma_wait3A_90 = tpu.memref_slice %arg4[%add3A_71, %dma_wait3A_89] : memref<4096x1024xf32, #tpu.memory_space<hbm>> -> memref<32x1024xf32, #tpu.memory_space<hbm>>
    %dma_wait3A_91 = arith.constant 0 : i32
    %dma_wait3A_92 = tpu.memref_slice %arg4[%add3A_71, %dma_wait3A_91] : memref<4096x1024xf32, #tpu.memory_space<hbm>> -> memref<32x1024xf32, #tpu.memory_space<hbm>>
    tpu.wait_dma2 semaphore(%arg10 : memref<!tpu.dma_semaphore, #tpu.memory_space<semaphore_mem>>) src(%arg6 : memref<32x1024xf32, #tpu.memory_space<vmem>>) dst(%dma_wait3A_92 : memref<32x1024xf32, #tpu.memory_space<hbm>>)
    %dma_wait3A_93 = arith.constant 0 : i32
    %dma_wait3A_94 = tpu.memref_slice %arg4[%add3A_84, %dma_wait3A_93] : memref<4096x1024xf32, #tpu.memory_space<hbm>> -> memref<32x1024xf32, #tpu.memory_space<hbm>>
    %dma_wait3A_95 = arith.constant 0 : i32
    %dma_wait3A_96 = tpu.memref_slice %arg4[%add3A_84, %dma_wait3A_95] : memref<4096x1024xf32, #tpu.memory_space<hbm>> -> memref<32x1024xf32, #tpu.memory_space<hbm>>
    tpu.wait_dma2 semaphore(%arg11 : memref<!tpu.dma_semaphore, #tpu.memory_space<semaphore_mem>>) src(%arg7 : memref<32x1024xf32, #tpu.memory_space<vmem>>) dst(%dma_wait3A_96 : memref<32x1024xf32, #tpu.memory_space<hbm>>)
    return
  }
}

#map = affine_map<(d0, d1) -> (0, 0)>
#map1 = affine_map<(d0, d1) -> (0, 0, 0)>
module attributes {stable_mosaic.version = 14 : i64} {
  func.func @k(%arg0: i32, %arg1: i32, %arg2: memref<2048x1024xf32, #tpu.memory_space<hbm>>, %arg3: memref<32x4x32xi32, #tpu.memory_space<hbm>>, %arg4: memref<6144x1024xf32, #tpu.memory_space<hbm>>, %arg5: memref<4x32xi32, #tpu.memory_space<vmem>>, %arg6: memref<32x1024xf32, #tpu.memory_space<vmem>>, %arg7: memref<32x1024xf32, #tpu.memory_space<vmem>>, %arg8: memref<!tpu.dma_semaphore, #tpu.memory_space<semaphore_mem>>, %arg9: memref<!tpu.dma_semaphore, #tpu.memory_space<semaphore_mem>>) attributes {dimension_semantics = [#tpu.dimension_semantics<core_parallel>, #tpu.dimension_semantics<subcore_parallel>], iteration_bounds = array<i64: 2, 16>, scalar_prefetch = 0 : i64, scratch_operands = 5 : i64, tpu.core_type = #tpu.core_type<sc_vector_subcore>, window_params = [{transform_indices = #map}, {transform_indices = #map1}, {transform_indices = #map}]} {
    %mul3A = arith.constant 2 : i32
    %mul3A_0 = arith.muli %arg1, %mul3A : i32
    %add3A = arith.addi %mul3A_0, %arg0 : i32
    %jit3A = arith.constant 16 : i32
    %eq3A = arith.constant 0 : i32
    %eq3A_1 = arith.cmpi eq, %jit3A, %eq3A : i32
    %jit3A_2 = arith.constant 1 : i32
    %select_n3A = arith.select %eq3A_1, %jit3A_2, %jit3A : i32
    %rem3A = arith.remsi %add3A, %select_n3A : i32
    %ne3A = arith.constant 0 : i32
    %ne3A_3 = arith.cmpi ne, %rem3A, %ne3A : i32
    %lt3A = arith.constant 0 : i32
    %lt3A_4 = arith.cmpi slt, %rem3A, %lt3A : i32
    %lt3A_5 = arith.constant 0 : i32
    %lt3A_6 = arith.cmpi slt, %select_n3A, %lt3A_5 : i32
    %ne3A_7 = arith.xori %lt3A_4, %lt3A_6 : i1
    %and3A = arith.andi %ne3A_7, %ne3A_3 : i1
    %add3A_8 = arith.addi %rem3A, %select_n3A : i32
    %select_n3A_9 = arith.select %and3A, %add3A_8, %rem3A : i32
    %mul3A_10 = arith.constant 128 : i32
    %mul3A_11 = arith.muli %select_n3A_9, %mul3A_10 : i32
    "tpu.region"() ({
      %run_scoped3A = tpu.sem_alloc : memref<!tpu.dma_semaphore, #tpu.memory_space<semaphore_mem>>
      %dma_start3A_74 = arith.constant 0 : i32
      %dma_start3A_75 = arith.constant 0 : i32
      %dma_start3A_76 = tpu.memref_slice %arg3[%add3A, %dma_start3A_74, %dma_start3A_75] : memref<32x4x32xi32, #tpu.memory_space<hbm>> -> memref<1x4x32xi32, #tpu.memory_space<hbm>>
      %dma_start3A_77 = tpu.memref_squeeze %dma_start3A_76 : memref<1x4x32xi32, #tpu.memory_space<hbm>> -> memref<4x32xi32, #tpu.memory_space<hbm>>
      %dma_start3A_78 = arith.constant 0 : i32
      %dma_start3A_79 = arith.constant 0 : i32
      %dma_start3A_80 = tpu.memref_slice %arg3[%add3A, %dma_start3A_78, %dma_start3A_79] : memref<32x4x32xi32, #tpu.memory_space<hbm>> -> memref<1x4x32xi32, #tpu.memory_space<hbm>>
      %dma_start3A_81 = tpu.memref_squeeze %dma_start3A_80 : memref<1x4x32xi32, #tpu.memory_space<hbm>> -> memref<4x32xi32, #tpu.memory_space<hbm>>
      tpu.enqueue_dma source(%dma_start3A_81 : memref<4x32xi32, #tpu.memory_space<hbm>>) target(%arg5 : memref<4x32xi32, #tpu.memory_space<vmem>>) target_semaphore(%run_scoped3A : memref<!tpu.dma_semaphore, #tpu.memory_space<semaphore_mem>>)
      %dma_wait3A_82 = arith.constant 0 : i32
      %dma_wait3A_83 = arith.constant 0 : i32
      %dma_wait3A_84 = tpu.memref_slice %arg3[%add3A, %dma_wait3A_82, %dma_wait3A_83] : memref<32x4x32xi32, #tpu.memory_space<hbm>> -> memref<1x4x32xi32, #tpu.memory_space<hbm>>
      %dma_wait3A_85 = tpu.memref_squeeze %dma_wait3A_84 : memref<1x4x32xi32, #tpu.memory_space<hbm>> -> memref<4x32xi32, #tpu.memory_space<hbm>>
      %dma_wait3A_86 = arith.constant 0 : i32
      %dma_wait3A_87 = arith.constant 0 : i32
      %dma_wait3A_88 = tpu.memref_slice %arg3[%add3A, %dma_wait3A_86, %dma_wait3A_87] : memref<32x4x32xi32, #tpu.memory_space<hbm>> -> memref<1x4x32xi32, #tpu.memory_space<hbm>>
      %dma_wait3A_89 = tpu.memref_squeeze %dma_wait3A_88 : memref<1x4x32xi32, #tpu.memory_space<hbm>> -> memref<4x32xi32, #tpu.memory_space<hbm>>
      tpu.wait_dma2 semaphore(%run_scoped3A : memref<!tpu.dma_semaphore, #tpu.memory_space<semaphore_mem>>) src(%dma_wait3A_89 : memref<4x32xi32, #tpu.memory_space<hbm>>) dst(%arg5 : memref<4x32xi32, #tpu.memory_space<vmem>>)
      tpu.yield
    }) : () -> ()
    %add3A_12 = arith.constant 0 : i32
    %add3A_13 = arith.addi %mul3A_11, %add3A_12 : i32
    "tpu.region"() ({
      %run_scoped3A = tpu.sem_alloc : memref<!tpu.dma_semaphore, #tpu.memory_space<semaphore_mem>>
      %dma_start3A_74 = arith.constant 0 : i32
      %dma_start3A_75 = tpu.memref_slice %arg2[%add3A_13, %dma_start3A_74] : memref<2048x1024xf32, #tpu.memory_space<hbm>> -> memref<32x1024xf32, #tpu.memory_space<hbm>>
      %dma_start3A_76 = arith.constant 0 : i32
      %dma_start3A_77 = tpu.memref_slice %arg2[%add3A_13, %dma_start3A_76] : memref<2048x1024xf32, #tpu.memory_space<hbm>> -> memref<32x1024xf32, #tpu.memory_space<hbm>>
      tpu.enqueue_dma source(%dma_start3A_77 : memref<32x1024xf32, #tpu.memory_space<hbm>>) target(%arg6 : memref<32x1024xf32, #tpu.memory_space<vmem>>) target_semaphore(%run_scoped3A : memref<!tpu.dma_semaphore, #tpu.memory_space<semaphore_mem>>)
      %dma_wait3A_78 = arith.constant 0 : i32
      %dma_wait3A_79 = tpu.memref_slice %arg2[%add3A_13, %dma_wait3A_78] : memref<2048x1024xf32, #tpu.memory_space<hbm>> -> memref<32x1024xf32, #tpu.memory_space<hbm>>
      %dma_wait3A_80 = arith.constant 0 : i32
      %dma_wait3A_81 = tpu.memref_slice %arg2[%add3A_13, %dma_wait3A_80] : memref<2048x1024xf32, #tpu.memory_space<hbm>> -> memref<32x1024xf32, #tpu.memory_space<hbm>>
      tpu.wait_dma2 semaphore(%run_scoped3A : memref<!tpu.dma_semaphore, #tpu.memory_space<semaphore_mem>>) src(%dma_wait3A_81 : memref<32x1024xf32, #tpu.memory_space<hbm>>) dst(%arg6 : memref<32x1024xf32, #tpu.memory_space<vmem>>)
      tpu.yield
    }) : () -> ()
    %dma_start3A = arith.constant 0 : i32
    %dma_start3A_14 = arith.constant 0 : i32
    %dma_start3A_15 = tpu.memref_slice %arg5[%dma_start3A, %dma_start3A_14] : memref<4x32xi32, #tpu.memory_space<vmem>> -> memref<1x32xi32, #tpu.memory_space<vmem>>
    %dma_start3A_16 = tpu.memref_squeeze %dma_start3A_15 : memref<1x32xi32, #tpu.memory_space<vmem>> -> memref<32xi32, #tpu.memory_space<vmem>>
    %dma_start3A_17 = arith.constant 0 : i32
    %dma_start3A_18 = arith.constant 0 : i32
    %dma_start3A_19 = tpu.memref_slice %arg4[%dma_start3A_17, %dma_start3A_18] : memref<6144x1024xf32, #tpu.memory_space<hbm>> -> memref<6144x1024xf32, #tpu.memory_space<hbm>>
    tpu.enqueue_indirect_dma source(%arg6 : memref<32x1024xf32, #tpu.memory_space<vmem>>) target(%dma_start3A_19 : memref<6144x1024xf32, #tpu.memory_space<hbm>>) offsets(%dma_start3A_16 : memref<32xi32, #tpu.memory_space<vmem>>) semaphore(%arg8 : memref<!tpu.dma_semaphore, #tpu.memory_space<semaphore_mem>>)
    %add3A_20 = arith.constant 32 : i32
    %add3A_21 = arith.addi %mul3A_11, %add3A_20 : i32
    "tpu.region"() ({
      %run_scoped3A = tpu.sem_alloc : memref<!tpu.dma_semaphore, #tpu.memory_space<semaphore_mem>>
      %dma_start3A_74 = arith.constant 0 : i32
      %dma_start3A_75 = tpu.memref_slice %arg2[%add3A_21, %dma_start3A_74] : memref<2048x1024xf32, #tpu.memory_space<hbm>> -> memref<32x1024xf32, #tpu.memory_space<hbm>>
      %dma_start3A_76 = arith.constant 0 : i32
      %dma_start3A_77 = tpu.memref_slice %arg2[%add3A_21, %dma_start3A_76] : memref<2048x1024xf32, #tpu.memory_space<hbm>> -> memref<32x1024xf32, #tpu.memory_space<hbm>>
      tpu.enqueue_dma source(%dma_start3A_77 : memref<32x1024xf32, #tpu.memory_space<hbm>>) target(%arg7 : memref<32x1024xf32, #tpu.memory_space<vmem>>) target_semaphore(%run_scoped3A : memref<!tpu.dma_semaphore, #tpu.memory_space<semaphore_mem>>)
      %dma_wait3A_78 = arith.constant 0 : i32
      %dma_wait3A_79 = tpu.memref_slice %arg2[%add3A_21, %dma_wait3A_78] : memref<2048x1024xf32, #tpu.memory_space<hbm>> -> memref<32x1024xf32, #tpu.memory_space<hbm>>
      %dma_wait3A_80 = arith.constant 0 : i32
      %dma_wait3A_81 = tpu.memref_slice %arg2[%add3A_21, %dma_wait3A_80] : memref<2048x1024xf32, #tpu.memory_space<hbm>> -> memref<32x1024xf32, #tpu.memory_space<hbm>>
      tpu.wait_dma2 semaphore(%run_scoped3A : memref<!tpu.dma_semaphore, #tpu.memory_space<semaphore_mem>>) src(%dma_wait3A_81 : memref<32x1024xf32, #tpu.memory_space<hbm>>) dst(%arg7 : memref<32x1024xf32, #tpu.memory_space<vmem>>)
      tpu.yield
    }) : () -> ()
    %dma_start3A_22 = arith.constant 1 : i32
    %dma_start3A_23 = arith.constant 0 : i32
    %dma_start3A_24 = tpu.memref_slice %arg5[%dma_start3A_22, %dma_start3A_23] : memref<4x32xi32, #tpu.memory_space<vmem>> -> memref<1x32xi32, #tpu.memory_space<vmem>>
    %dma_start3A_25 = tpu.memref_squeeze %dma_start3A_24 : memref<1x32xi32, #tpu.memory_space<vmem>> -> memref<32xi32, #tpu.memory_space<vmem>>
    %dma_start3A_26 = arith.constant 0 : i32
    %dma_start3A_27 = arith.constant 0 : i32
    %dma_start3A_28 = tpu.memref_slice %arg4[%dma_start3A_26, %dma_start3A_27] : memref<6144x1024xf32, #tpu.memory_space<hbm>> -> memref<6144x1024xf32, #tpu.memory_space<hbm>>
    tpu.enqueue_indirect_dma source(%arg7 : memref<32x1024xf32, #tpu.memory_space<vmem>>) target(%dma_start3A_28 : memref<6144x1024xf32, #tpu.memory_space<hbm>>) offsets(%dma_start3A_25 : memref<32xi32, #tpu.memory_space<vmem>>) semaphore(%arg9 : memref<!tpu.dma_semaphore, #tpu.memory_space<semaphore_mem>>)
    %dma_wait3A = arith.constant 0 : i32
    %dma_wait3A_29 = arith.constant 0 : i32
    %dma_wait3A_30 = tpu.memref_slice %arg5[%dma_wait3A, %dma_wait3A_29] : memref<4x32xi32, #tpu.memory_space<vmem>> -> memref<1x32xi32, #tpu.memory_space<vmem>>
    %dma_wait3A_31 = tpu.memref_squeeze %dma_wait3A_30 : memref<1x32xi32, #tpu.memory_space<vmem>> -> memref<32xi32, #tpu.memory_space<vmem>>
    %dma_wait3A_32 = arith.constant 0 : i32
    %dma_wait3A_33 = arith.constant 0 : i32
    %dma_wait3A_34 = tpu.memref_slice %arg4[%dma_wait3A_32, %dma_wait3A_33] : memref<6144x1024xf32, #tpu.memory_space<hbm>> -> memref<6144x1024xf32, #tpu.memory_space<hbm>>
    tpu.wait_indirect_dma semaphore(%arg8 : memref<!tpu.dma_semaphore, #tpu.memory_space<semaphore_mem>>) src(%arg6 : memref<32x1024xf32, #tpu.memory_space<vmem>>) dst(%dma_wait3A_34 : memref<6144x1024xf32, #tpu.memory_space<hbm>>)
    %add3A_35 = arith.constant 64 : i32
    %add3A_36 = arith.addi %mul3A_11, %add3A_35 : i32
    "tpu.region"() ({
      %run_scoped3A = tpu.sem_alloc : memref<!tpu.dma_semaphore, #tpu.memory_space<semaphore_mem>>
      %dma_start3A_74 = arith.constant 0 : i32
      %dma_start3A_75 = tpu.memref_slice %arg2[%add3A_36, %dma_start3A_74] : memref<2048x1024xf32, #tpu.memory_space<hbm>> -> memref<32x1024xf32, #tpu.memory_space<hbm>>
      %dma_start3A_76 = arith.constant 0 : i32
      %dma_start3A_77 = tpu.memref_slice %arg2[%add3A_36, %dma_start3A_76] : memref<2048x1024xf32, #tpu.memory_space<hbm>> -> memref<32x1024xf32, #tpu.memory_space<hbm>>
      tpu.enqueue_dma source(%dma_start3A_77 : memref<32x1024xf32, #tpu.memory_space<hbm>>) target(%arg6 : memref<32x1024xf32, #tpu.memory_space<vmem>>) target_semaphore(%run_scoped3A : memref<!tpu.dma_semaphore, #tpu.memory_space<semaphore_mem>>)
      %dma_wait3A_78 = arith.constant 0 : i32
      %dma_wait3A_79 = tpu.memref_slice %arg2[%add3A_36, %dma_wait3A_78] : memref<2048x1024xf32, #tpu.memory_space<hbm>> -> memref<32x1024xf32, #tpu.memory_space<hbm>>
      %dma_wait3A_80 = arith.constant 0 : i32
      %dma_wait3A_81 = tpu.memref_slice %arg2[%add3A_36, %dma_wait3A_80] : memref<2048x1024xf32, #tpu.memory_space<hbm>> -> memref<32x1024xf32, #tpu.memory_space<hbm>>
      tpu.wait_dma2 semaphore(%run_scoped3A : memref<!tpu.dma_semaphore, #tpu.memory_space<semaphore_mem>>) src(%dma_wait3A_81 : memref<32x1024xf32, #tpu.memory_space<hbm>>) dst(%arg6 : memref<32x1024xf32, #tpu.memory_space<vmem>>)
      tpu.yield
    }) : () -> ()
    %dma_start3A_37 = arith.constant 2 : i32
    %dma_start3A_38 = arith.constant 0 : i32
    %dma_start3A_39 = tpu.memref_slice %arg5[%dma_start3A_37, %dma_start3A_38] : memref<4x32xi32, #tpu.memory_space<vmem>> -> memref<1x32xi32, #tpu.memory_space<vmem>>
    %dma_start3A_40 = tpu.memref_squeeze %dma_start3A_39 : memref<1x32xi32, #tpu.memory_space<vmem>> -> memref<32xi32, #tpu.memory_space<vmem>>
    %dma_start3A_41 = arith.constant 0 : i32
    %dma_start3A_42 = arith.constant 0 : i32
    %dma_start3A_43 = tpu.memref_slice %arg4[%dma_start3A_41, %dma_start3A_42] : memref<6144x1024xf32, #tpu.memory_space<hbm>> -> memref<6144x1024xf32, #tpu.memory_space<hbm>>
    tpu.enqueue_indirect_dma source(%arg6 : memref<32x1024xf32, #tpu.memory_space<vmem>>) target(%dma_start3A_43 : memref<6144x1024xf32, #tpu.memory_space<hbm>>) offsets(%dma_start3A_40 : memref<32xi32, #tpu.memory_space<vmem>>) semaphore(%arg8 : memref<!tpu.dma_semaphore, #tpu.memory_space<semaphore_mem>>)
    %dma_wait3A_44 = arith.constant 1 : i32
    %dma_wait3A_45 = arith.constant 0 : i32
    %dma_wait3A_46 = tpu.memref_slice %arg5[%dma_wait3A_44, %dma_wait3A_45] : memref<4x32xi32, #tpu.memory_space<vmem>> -> memref<1x32xi32, #tpu.memory_space<vmem>>
    %dma_wait3A_47 = tpu.memref_squeeze %dma_wait3A_46 : memref<1x32xi32, #tpu.memory_space<vmem>> -> memref<32xi32, #tpu.memory_space<vmem>>
    %dma_wait3A_48 = arith.constant 0 : i32
    %dma_wait3A_49 = arith.constant 0 : i32
    %dma_wait3A_50 = tpu.memref_slice %arg4[%dma_wait3A_48, %dma_wait3A_49] : memref<6144x1024xf32, #tpu.memory_space<hbm>> -> memref<6144x1024xf32, #tpu.memory_space<hbm>>
    tpu.wait_indirect_dma semaphore(%arg9 : memref<!tpu.dma_semaphore, #tpu.memory_space<semaphore_mem>>) src(%arg7 : memref<32x1024xf32, #tpu.memory_space<vmem>>) dst(%dma_wait3A_50 : memref<6144x1024xf32, #tpu.memory_space<hbm>>)
    %add3A_51 = arith.constant 96 : i32
    %add3A_52 = arith.addi %mul3A_11, %add3A_51 : i32
    "tpu.region"() ({
      %run_scoped3A = tpu.sem_alloc : memref<!tpu.dma_semaphore, #tpu.memory_space<semaphore_mem>>
      %dma_start3A_74 = arith.constant 0 : i32
      %dma_start3A_75 = tpu.memref_slice %arg2[%add3A_52, %dma_start3A_74] : memref<2048x1024xf32, #tpu.memory_space<hbm>> -> memref<32x1024xf32, #tpu.memory_space<hbm>>
      %dma_start3A_76 = arith.constant 0 : i32
      %dma_start3A_77 = tpu.memref_slice %arg2[%add3A_52, %dma_start3A_76] : memref<2048x1024xf32, #tpu.memory_space<hbm>> -> memref<32x1024xf32, #tpu.memory_space<hbm>>
      tpu.enqueue_dma source(%dma_start3A_77 : memref<32x1024xf32, #tpu.memory_space<hbm>>) target(%arg7 : memref<32x1024xf32, #tpu.memory_space<vmem>>) target_semaphore(%run_scoped3A : memref<!tpu.dma_semaphore, #tpu.memory_space<semaphore_mem>>)
      %dma_wait3A_78 = arith.constant 0 : i32
      %dma_wait3A_79 = tpu.memref_slice %arg2[%add3A_52, %dma_wait3A_78] : memref<2048x1024xf32, #tpu.memory_space<hbm>> -> memref<32x1024xf32, #tpu.memory_space<hbm>>
      %dma_wait3A_80 = arith.constant 0 : i32
      %dma_wait3A_81 = tpu.memref_slice %arg2[%add3A_52, %dma_wait3A_80] : memref<2048x1024xf32, #tpu.memory_space<hbm>> -> memref<32x1024xf32, #tpu.memory_space<hbm>>
      tpu.wait_dma2 semaphore(%run_scoped3A : memref<!tpu.dma_semaphore, #tpu.memory_space<semaphore_mem>>) src(%dma_wait3A_81 : memref<32x1024xf32, #tpu.memory_space<hbm>>) dst(%arg7 : memref<32x1024xf32, #tpu.memory_space<vmem>>)
      tpu.yield
    }) : () -> ()
    %dma_start3A_53 = arith.constant 3 : i32
    %dma_start3A_54 = arith.constant 0 : i32
    %dma_start3A_55 = tpu.memref_slice %arg5[%dma_start3A_53, %dma_start3A_54] : memref<4x32xi32, #tpu.memory_space<vmem>> -> memref<1x32xi32, #tpu.memory_space<vmem>>
    %dma_start3A_56 = tpu.memref_squeeze %dma_start3A_55 : memref<1x32xi32, #tpu.memory_space<vmem>> -> memref<32xi32, #tpu.memory_space<vmem>>
    %dma_start3A_57 = arith.constant 0 : i32
    %dma_start3A_58 = arith.constant 0 : i32
    %dma_start3A_59 = tpu.memref_slice %arg4[%dma_start3A_57, %dma_start3A_58] : memref<6144x1024xf32, #tpu.memory_space<hbm>> -> memref<6144x1024xf32, #tpu.memory_space<hbm>>
    tpu.enqueue_indirect_dma source(%arg7 : memref<32x1024xf32, #tpu.memory_space<vmem>>) target(%dma_start3A_59 : memref<6144x1024xf32, #tpu.memory_space<hbm>>) offsets(%dma_start3A_56 : memref<32xi32, #tpu.memory_space<vmem>>) semaphore(%arg9 : memref<!tpu.dma_semaphore, #tpu.memory_space<semaphore_mem>>)
    %dma_wait3A_60 = arith.constant 2 : i32
    %dma_wait3A_61 = arith.constant 0 : i32
    %dma_wait3A_62 = tpu.memref_slice %arg5[%dma_wait3A_60, %dma_wait3A_61] : memref<4x32xi32, #tpu.memory_space<vmem>> -> memref<1x32xi32, #tpu.memory_space<vmem>>
    %dma_wait3A_63 = tpu.memref_squeeze %dma_wait3A_62 : memref<1x32xi32, #tpu.memory_space<vmem>> -> memref<32xi32, #tpu.memory_space<vmem>>
    %dma_wait3A_64 = arith.constant 0 : i32
    %dma_wait3A_65 = arith.constant 0 : i32
    %dma_wait3A_66 = tpu.memref_slice %arg4[%dma_wait3A_64, %dma_wait3A_65] : memref<6144x1024xf32, #tpu.memory_space<hbm>> -> memref<6144x1024xf32, #tpu.memory_space<hbm>>
    tpu.wait_indirect_dma semaphore(%arg8 : memref<!tpu.dma_semaphore, #tpu.memory_space<semaphore_mem>>) src(%arg6 : memref<32x1024xf32, #tpu.memory_space<vmem>>) dst(%dma_wait3A_66 : memref<6144x1024xf32, #tpu.memory_space<hbm>>)
    %dma_wait3A_67 = arith.constant 3 : i32
    %dma_wait3A_68 = arith.constant 0 : i32
    %dma_wait3A_69 = tpu.memref_slice %arg5[%dma_wait3A_67, %dma_wait3A_68] : memref<4x32xi32, #tpu.memory_space<vmem>> -> memref<1x32xi32, #tpu.memory_space<vmem>>
    %dma_wait3A_70 = tpu.memref_squeeze %dma_wait3A_69 : memref<1x32xi32, #tpu.memory_space<vmem>> -> memref<32xi32, #tpu.memory_space<vmem>>
    %dma_wait3A_71 = arith.constant 0 : i32
    %dma_wait3A_72 = arith.constant 0 : i32
    %dma_wait3A_73 = tpu.memref_slice %arg4[%dma_wait3A_71, %dma_wait3A_72] : memref<6144x1024xf32, #tpu.memory_space<hbm>> -> memref<6144x1024xf32, #tpu.memory_space<hbm>>
    tpu.wait_indirect_dma semaphore(%arg9 : memref<!tpu.dma_semaphore, #tpu.memory_space<semaphore_mem>>) src(%arg7 : memref<32x1024xf32, #tpu.memory_space<vmem>>) dst(%dma_wait3A_73 : memref<6144x1024xf32, #tpu.memory_space<hbm>>)
    return
  }
}

module attributes {stable_mosaic.version = 14 : i64} {
  func.func @_router_body(%arg0: memref<2048x1024xf32, #tpu.memory_space<vmem>>, %arg1: memref<8x1024xf32, #tpu.memory_space<vmem>>, %arg2: memref<1x1024xf32, #tpu.memory_space<vmem>>, %arg3: memref<2048x2xi32, #tpu.memory_space<vmem>>, %arg4: memref<2048x2xf32, #tpu.memory_space<vmem>>, %arg5: memref<2048x1xf32, #tpu.memory_space<vmem>>) attributes {dimension_semantics = [], scalar_prefetch = 0 : i64, scratch_operands = 0 : i64, tpu.core_type = #tpu.core_type<tc>} {
    %get3A = arith.constant 0 : index
    %get3A_0 = arith.constant 0 : index
    %get3A_1 = vector.load %arg0[%get3A, %get3A_0] : memref<2048x1024xf32, #tpu.memory_space<vmem>>, vector<2048x1024xf32>
    %get3A_2 = arith.constant 0 : index
    %get3A_3 = arith.constant 0 : index
    %get3A_4 = vector.load %arg2[%get3A_2, %get3A_3] : memref<1x1024xf32, #tpu.memory_space<vmem>>, vector<1x1024xf32>
    %dot_general3A = arith.constant dense<0.000000e+00> : vector<2048x1xf32>
    %dot_general3A_5 = tpu.matmul %get3A_1, %get3A_4, %dot_general3A {dimension_numbers = #tpu.dot_dimension_numbers<[1], [1], [0], [0], [0, 0, 1, 0], [], []>, transpose_lhs_hint = false} : vector<2048x1024xf32>, vector<1x1024xf32>, vector<2048x1xf32> -> vector<2048x1xf32>
    %logistic3A = arith.negf %dot_general3A_5 : vector<2048x1xf32>
    %logistic3A_6 = math.exp %logistic3A : vector<2048x1xf32>
    %logistic3A_7 = arith.constant 1.000000e+00 : f32
    %logistic3A_8 = vector.broadcast %logistic3A_7 : f32 to vector<2048x1xf32>
    %logistic3A_9 = arith.addf %logistic3A_8, %logistic3A_6 : vector<2048x1xf32>
    %logistic3A_10 = arith.divf %logistic3A_8, %logistic3A_9 : vector<2048x1xf32>
    %swap3A = arith.constant 0 : index
    %swap3A_11 = arith.constant 0 : index
    %swap3A_12 = vector.load %arg5[%swap3A, %swap3A_11] : memref<2048x1xf32, #tpu.memory_space<vmem>>, vector<2048x1xf32>
    tpu.vector_store %arg5[%swap3A, %swap3A_11], %logistic3A_10 {strides = array<i32>} : memref<2048x1xf32, #tpu.memory_space<vmem>>, vector<2048x1xf32>,
    %get3A_13 = arith.constant 0 : index
    %get3A_14 = arith.constant 0 : index
    %get3A_15 = vector.load %arg1[%get3A_13, %get3A_14] : memref<8x1024xf32, #tpu.memory_space<vmem>>, vector<8x1024xf32>
    %dot_general3A_16 = arith.constant dense<0.000000e+00> : vector<2048x8xf32>
    %dot_general3A_17 = tpu.matmul %get3A_1, %get3A_15, %dot_general3A_16 {dimension_numbers = #tpu.dot_dimension_numbers<[1], [1], [0], [0], [0, 0, 1, 0], [], []>, transpose_lhs_hint = false} : vector<2048x1024xf32>, vector<8x1024xf32>, vector<2048x8xf32> -> vector<2048x8xf32>
    %iota3A = tpu.iota {dimensions = array<i32: 1>} : vector<2048x8xi32>
    %reduce_max3A = arith.constant dense<0xFF800000> : vector<2048xf32>
    %reduce_max3A_18 = vector.multi_reduction <maximumf>, %dot_general3A_17, %reduce_max3A [1] : vector<2048x8xf32> to vector<2048xf32>
    %broadcast_in_dim3A = vector.shape_cast %reduce_max3A_18 : vector<2048xf32> to vector<2048x1xf32>
    %sub3A = vector.broadcast %broadcast_in_dim3A : vector<2048x1xf32> to vector<2048x8xf32>
    %sub3A_19 = arith.subf %dot_general3A_17, %sub3A : vector<2048x8xf32>
    %exp3A = math.exp %sub3A_19 : vector<2048x8xf32>
    %reduce_sum3A = arith.constant dense<0.000000e+00> : vector<2048xf32>
    %reduce_sum3A_20 = vector.multi_reduction <add>, %exp3A, %reduce_sum3A [1] : vector<2048x8xf32> to vector<2048xf32>
    %broadcast_in_dim3A_21 = vector.shape_cast %reduce_sum3A_20 : vector<2048xf32> to vector<2048x1xf32>
    %div3A = vector.broadcast %broadcast_in_dim3A_21 : vector<2048x1xf32> to vector<2048x8xf32>
    %div3A_22 = arith.divf %exp3A, %div3A : vector<2048x8xf32>
    %reduce_max3A_23 = arith.constant dense<0xFF800000> : vector<2048xf32>
    %reduce_max3A_24 = vector.multi_reduction <maximumf>, %div3A_22, %reduce_max3A_23 [1] : vector<2048x8xf32> to vector<2048xf32>
    %broadcast_in_dim3A_25 = vector.shape_cast %reduce_max3A_24 : vector<2048xf32> to vector<2048x1xf32>
    %eq3A = vector.broadcast %broadcast_in_dim3A_25 : vector<2048x1xf32> to vector<2048x8xf32>
    %eq3A_26 = arith.cmpf oeq, %div3A_22, %eq3A : vector<2048x8xf32>
    %jit3A = arith.constant 8 : i32
    %broadcast_in_dim3A_27 = vector.broadcast %jit3A : i32 to vector<2048x8xi32>
    %select_n3A = arith.select %eq3A_26, %iota3A, %broadcast_in_dim3A_27 : vector<2048x8xi1>, vector<2048x8xi32>
    %reduce_min3A = arith.constant dense<2147483647> : vector<2048xi32>
    %reduce_min3A_28 = vector.multi_reduction <minsi>, %select_n3A, %reduce_min3A [1] : vector<2048x8xi32> to vector<2048xi32>
    %broadcast_in_dim3A_29 = vector.shape_cast %reduce_min3A_28 : vector<2048xi32> to vector<2048x1xi32>
    %eq3A_30 = vector.broadcast %broadcast_in_dim3A_29 : vector<2048x1xi32> to vector<2048x8xi32>
    %eq3A_31 = arith.cmpi eq, %iota3A, %eq3A_30 : vector<2048x8xi32>
    %jit3A_32 = arith.constant -1.000000e+00 : f32
    %broadcast_in_dim3A_33 = vector.broadcast %jit3A_32 : f32 to vector<2048x8xf32>
    %select_n3A_34 = arith.select %eq3A_31, %broadcast_in_dim3A_33, %div3A_22 : vector<2048x8xi1>, vector<2048x8xf32>
    %reduce_max3A_35 = arith.constant dense<0xFF800000> : vector<2048xf32>
    %reduce_max3A_36 = vector.multi_reduction <maximumf>, %select_n3A_34, %reduce_max3A_35 [1] : vector<2048x8xf32> to vector<2048xf32>
    %broadcast_in_dim3A_37 = vector.shape_cast %reduce_max3A_36 : vector<2048xf32> to vector<2048x1xf32>
    %eq3A_38 = vector.broadcast %broadcast_in_dim3A_37 : vector<2048x1xf32> to vector<2048x8xf32>
    %eq3A_39 = arith.cmpf oeq, %select_n3A_34, %eq3A_38 : vector<2048x8xf32>
    %jit3A_40 = arith.constant 8 : i32
    %broadcast_in_dim3A_41 = vector.broadcast %jit3A_40 : i32 to vector<2048x8xi32>
    %select_n3A_42 = arith.select %eq3A_39, %iota3A, %broadcast_in_dim3A_41 : vector<2048x8xi1>, vector<2048x8xi32>
    %reduce_min3A_43 = arith.constant dense<2147483647> : vector<2048xi32>
    %reduce_min3A_44 = vector.multi_reduction <minsi>, %select_n3A_42, %reduce_min3A_43 [1] : vector<2048x8xi32> to vector<2048xi32>
    %broadcast_in_dim3A_45 = vector.shape_cast %reduce_min3A_44 : vector<2048xi32> to vector<2048x1xi32>
    %add3A = arith.addf %broadcast_in_dim3A_25, %broadcast_in_dim3A_37 : vector<2048x1xf32>
    %concatenate3A = tpu.concatenate %broadcast_in_dim3A_29, %broadcast_in_dim3A_45 in 1 : vector<2048x1xi32>, vector<2048x1xi32> -> vector<2048x2xi32>
    %swap3A_46 = arith.constant 0 : index
    %swap3A_47 = arith.constant 0 : index
    %swap3A_48 = vector.load %arg3[%swap3A_46, %swap3A_47] : memref<2048x2xi32, #tpu.memory_space<vmem>>, vector<2048x2xi32>
    tpu.vector_store %arg3[%swap3A_46, %swap3A_47], %concatenate3A {strides = array<i32>} : memref<2048x2xi32, #tpu.memory_space<vmem>>, vector<2048x2xi32>,
    %div3A_49 = arith.divf %broadcast_in_dim3A_25, %add3A : vector<2048x1xf32>
    %div3A_50 = arith.divf %broadcast_in_dim3A_37, %add3A : vector<2048x1xf32>
    %concatenate3A_51 = tpu.concatenate %div3A_49, %div3A_50 in 1 : vector<2048x1xf32>, vector<2048x1xf32> -> vector<2048x2xf32>
    %swap3A_52 = arith.constant 0 : index
    %swap3A_53 = arith.constant 0 : index
    %swap3A_54 = vector.load %arg4[%swap3A_52, %swap3A_53] : memref<2048x2xf32, #tpu.memory_space<vmem>>, vector<2048x2xf32>
    tpu.vector_store %arg4[%swap3A_52, %swap3A_53], %concatenate3A_51 {strides = array<i32>} : memref<2048x2xf32, #tpu.memory_space<vmem>>, vector<2048x2xf32>,
    return
  }
}

module attributes {stable_mosaic.version = 14 : i64} {
  func.func @_shared_body(%arg0: i32, %arg1: memref<256x1024xf32, #tpu.memory_space<vmem>>, %arg2: memref<1024x1024xf32, #tpu.memory_space<vmem>>, %arg3: memref<1024x1024xf32, #tpu.memory_space<vmem>>, %arg4: memref<1024x1024xf32, #tpu.memory_space<vmem>>, %arg5: memref<256x1024xbf16, #tpu.memory_space<vmem>>, %arg6: memref<1024x1024xbf16, #tpu.memory_space<vmem>>, %arg7: memref<1024x1024xbf16, #tpu.memory_space<vmem>>, %arg8: memref<1024x1024xbf16, #tpu.memory_space<vmem>>) attributes {dimension_semantics = [#tpu.dimension_semantics<arbitrary>], iteration_bounds = array<i64: 8>, scalar_prefetch = 0 : i64, scratch_operands = 3 : i64, tpu.core_type = #tpu.core_type<tc>, window_params = [{transform_indices = @transform_0, window_bounds = array<i64: 256, 1024>}, {transform_indices = @transform_1, window_bounds = array<i64: 1024, 1024>}, {transform_indices = @transform_2, window_bounds = array<i64: 1024, 1024>}, {transform_indices = @transform_3, window_bounds = array<i64: 1024, 1024>}, {transform_indices = @transform_4, window_bounds = array<i64: 256, 1024>}]} {
    %eq3A = arith.constant 0 : i32
    %eq3A_0 = arith.cmpi eq, %arg0, %eq3A : i32
    %convert_element_type3A = arith.extui %eq3A_0 : i1 to i32
    %cond3A = arith.constant 0 : i32
    %cond3A_1 = arith.cmpi ne, %convert_element_type3A, %cond3A : i32
    scf.if %cond3A_1 {
      %get3A_29 = arith.constant 0 : index
      %get3A_30 = arith.constant 0 : index
      %get3A_31 = vector.load %arg2[%get3A_29, %get3A_30] : memref<1024x1024xf32, #tpu.memory_space<vmem>>, vector<1024x1024xf32>
      %convert_element_type3A_32 = arith.truncf %get3A_31 : vector<1024x1024xf32> to vector<1024x1024xbf16>
      %swap3A_33 = arith.constant 0 : index
      %swap3A_34 = arith.constant 0 : index
      %swap3A_35 = vector.load %arg6[%swap3A_33, %swap3A_34] : memref<1024x1024xbf16, #tpu.memory_space<vmem>>, vector<1024x1024xbf16>
      tpu.vector_store %arg6[%swap3A_33, %swap3A_34], %convert_element_type3A_32 {strides = array<i32>} : memref<1024x1024xbf16, #tpu.memory_space<vmem>>, vector<1024x1024xbf16>,
      %get3A_36 = arith.constant 0 : index
      %get3A_37 = arith.constant 0 : index
      %get3A_38 = vector.load %arg3[%get3A_36, %get3A_37] : memref<1024x1024xf32, #tpu.memory_space<vmem>>, vector<1024x1024xf32>
      %convert_element_type3A_39 = arith.truncf %get3A_38 : vector<1024x1024xf32> to vector<1024x1024xbf16>
      %swap3A_40 = arith.constant 0 : index
      %swap3A_41 = arith.constant 0 : index
      %swap3A_42 = vector.load %arg7[%swap3A_40, %swap3A_41] : memref<1024x1024xbf16, #tpu.memory_space<vmem>>, vector<1024x1024xbf16>
      tpu.vector_store %arg7[%swap3A_40, %swap3A_41], %convert_element_type3A_39 {strides = array<i32>} : memref<1024x1024xbf16, #tpu.memory_space<vmem>>, vector<1024x1024xbf16>,
      %get3A_43 = arith.constant 0 : index
      %get3A_44 = arith.constant 0 : index
      %get3A_45 = vector.load %arg4[%get3A_43, %get3A_44] : memref<1024x1024xf32, #tpu.memory_space<vmem>>, vector<1024x1024xf32>
      %convert_element_type3A_46 = arith.truncf %get3A_45 : vector<1024x1024xf32> to vector<1024x1024xbf16>
      %swap3A_47 = arith.constant 0 : index
      %swap3A_48 = arith.constant 0 : index
      %swap3A_49 = vector.load %arg8[%swap3A_47, %swap3A_48] : memref<1024x1024xbf16, #tpu.memory_space<vmem>>, vector<1024x1024xbf16>
      tpu.vector_store %arg8[%swap3A_47, %swap3A_48], %convert_element_type3A_46 {strides = array<i32>} : memref<1024x1024xbf16, #tpu.memory_space<vmem>>, vector<1024x1024xbf16>,
    } else {
    }
    %get3A = arith.constant 0 : index
    %get3A_2 = arith.constant 0 : index
    %get3A_3 = vector.load %arg1[%get3A, %get3A_2] : memref<256x1024xf32, #tpu.memory_space<vmem>>, vector<256x1024xf32>
    %convert_element_type3A_4 = arith.truncf %get3A_3 : vector<256x1024xf32> to vector<256x1024xbf16>
    %get3A_5 = arith.constant 0 : index
    %get3A_6 = arith.constant 0 : index
    %get3A_7 = vector.load %arg6[%get3A_5, %get3A_6] : memref<1024x1024xbf16, #tpu.memory_space<vmem>>, vector<1024x1024xbf16>
    %dot_general3A = arith.constant dense<0.000000e+00> : vector<256x1024xf32>
    %dot_general3A_8 = tpu.matmul %convert_element_type3A_4, %get3A_7, %dot_general3A {dimension_numbers = #tpu.dot_dimension_numbers<[1], [1], [0], [0], [0, 0, 1, 0], [], []>, transpose_lhs_hint = false} : vector<256x1024xbf16>, vector<1024x1024xbf16>, vector<256x1024xf32> -> vector<256x1024xf32>
    %get3A_9 = arith.constant 0 : index
    %get3A_10 = arith.constant 0 : index
    %get3A_11 = vector.load %arg7[%get3A_9, %get3A_10] : memref<1024x1024xbf16, #tpu.memory_space<vmem>>, vector<1024x1024xbf16>
    %dot_general3A_12 = arith.constant dense<0.000000e+00> : vector<256x1024xf32>
    %dot_general3A_13 = tpu.matmul %convert_element_type3A_4, %get3A_11, %dot_general3A_12 {dimension_numbers = #tpu.dot_dimension_numbers<[1], [1], [0], [0], [0, 0, 1, 0], [], []>, transpose_lhs_hint = false} : vector<256x1024xbf16>, vector<1024x1024xbf16>, vector<256x1024xf32> -> vector<256x1024xf32>
    %logistic3A = arith.negf %dot_general3A_8 : vector<256x1024xf32>
    %logistic3A_14 = math.exp %logistic3A : vector<256x1024xf32>
    %logistic3A_15 = arith.constant 1.000000e+00 : f32
    %logistic3A_16 = vector.broadcast %logistic3A_15 : f32 to vector<256x1024xf32>
    %logistic3A_17 = arith.addf %logistic3A_16, %logistic3A_14 : vector<256x1024xf32>
    %logistic3A_18 = arith.divf %logistic3A_16, %logistic3A_17 : vector<256x1024xf32>
    %mul3A = arith.mulf %dot_general3A_8, %logistic3A_18 : vector<256x1024xf32>
    %mul3A_19 = arith.mulf %mul3A, %dot_general3A_13 : vector<256x1024xf32>
    %convert_element_type3A_20 = arith.truncf %mul3A_19 : vector<256x1024xf32> to vector<256x1024xbf16>
    %get3A_21 = arith.constant 0 : index
    %get3A_22 = arith.constant 0 : index
    %get3A_23 = vector.load %arg8[%get3A_21, %get3A_22] : memref<1024x1024xbf16, #tpu.memory_space<vmem>>, vector<1024x1024xbf16>
    %dot_general3A_24 = arith.constant dense<0.000000e+00> : vector<256x1024xf32>
    %dot_general3A_25 = tpu.matmul %convert_element_type3A_20, %get3A_23, %dot_general3A_24 {dimension_numbers = #tpu.dot_dimension_numbers<[1], [1], [0], [0], [0, 0, 1, 0], [], []>, transpose_lhs_hint = false} : vector<256x1024xbf16>, vector<1024x1024xbf16>, vector<256x1024xf32> -> vector<256x1024xf32>
    %convert_element_type3A_26 = arith.truncf %dot_general3A_25 : vector<256x1024xf32> to vector<256x1024xbf16>
    %swap3A = arith.constant 0 : index
    %swap3A_27 = arith.constant 0 : index
    %swap3A_28 = vector.load %arg5[%swap3A, %swap3A_27] : memref<256x1024xbf16, #tpu.memory_space<vmem>>, vector<256x1024xbf16>
    tpu.vector_store %arg5[%swap3A, %swap3A_27], %convert_element_type3A_26 {strides = array<i32>} : memref<256x1024xbf16, #tpu.memory_space<vmem>>, vector<256x1024xbf16>,
    return
  }
  func.func @transform_0(%arg0: i32) -> (i32, i32) {
    %c0_i32 = arith.constant 0 : i32
    %c0_i32_0 = arith.constant 0 : i32
    return %arg0, %c0_i32 : i32, i32
  }
  func.func @transform_1(%arg0: i32) -> (i32, i32) {
    %c0_i32 = arith.constant 0 : i32
    %c0_i32_0 = arith.constant 0 : i32
    %c0_i32_1 = arith.constant 0 : i32
    return %c0_i32, %c0_i32_0 : i32, i32
  }
  func.func @transform_2(%arg0: i32) -> (i32, i32) {
    %c0_i32 = arith.constant 0 : i32
    %c0_i32_0 = arith.constant 0 : i32
    %c0_i32_1 = arith.constant 0 : i32
    return %c0_i32, %c0_i32_0 : i32, i32
  }
  func.func @transform_3(%arg0: i32) -> (i32, i32) {
    %c0_i32 = arith.constant 0 : i32
    %c0_i32_0 = arith.constant 0 : i32
    %c0_i32_1 = arith.constant 0 : i32
    return %c0_i32, %c0_i32_0 : i32, i32
  }
  func.func @transform_4(%arg0: i32) -> (i32, i32) {
    %c0_i32 = arith.constant 0 : i32
    %c0_i32_0 = arith.constant 0 : i32
    return %arg0, %c0_i32 : i32, i32
  }
}

module attributes {stable_mosaic.version = 14 : i64} {
  func.func @_expert_body(%arg0: i32, %arg1: memref<2x24xi32, #tpu.memory_space<smem>>, %arg2: memref<256x1024xf32, #tpu.memory_space<vmem>>, %arg3: memref<1x768x1024xf32, #tpu.memory_space<vmem>>, %arg4: memref<1x768x1024xf32, #tpu.memory_space<vmem>>, %arg5: memref<1x1024x768xf32, #tpu.memory_space<vmem>>, %arg6: memref<8x128xbf16, #tpu.memory_space<vmem>>, %arg7: memref<256x1024xf32, #tpu.memory_space<vmem>>, %arg8: memref<768x1024xbf16, #tpu.memory_space<vmem>>, %arg9: memref<768x1024xbf16, #tpu.memory_space<vmem>>, %arg10: memref<1024x768xbf16, #tpu.memory_space<vmem>>) attributes {dimension_semantics = [#tpu.dimension_semantics<arbitrary>], iteration_bounds = array<i64: 24>, scalar_prefetch = 1 : i64, scratch_operands = 3 : i64, tpu.core_type = #tpu.core_type<tc>, window_params = [{transform_indices = @transform_0, window_bounds = array<i64: 256, 1024>}, {transform_indices = @transform_1, window_bounds = array<i64: 1, 768, 1024>}, {transform_indices = @transform_2, window_bounds = array<i64: 1, 768, 1024>}, {transform_indices = @transform_3, window_bounds = array<i64: 1, 1024, 768>}, {transform_indices = @transform_4, window_bounds = array<i64: 8, 128>}, {transform_indices = @transform_5, window_bounds = array<i64: 256, 1024>}]} {
    %get3A = arith.constant 1 : index
    %get3A_0 = arith.index_cast %arg0 : i32 to index
    %get3A_1 = memref.load %arg1[%get3A, %get3A_0] : memref<2x24xi32, #tpu.memory_space<smem>>
    %ne3A = arith.constant 0 : i32
    %ne3A_2 = arith.cmpi ne, %get3A_1, %ne3A : i32
    %eq3A = arith.constant 0 : i32
    %eq3A_3 = arith.cmpi eq, %arg0, %eq3A : i32
    %get3A_4 = arith.constant 0 : index
    %get3A_5 = arith.index_cast %arg0 : i32 to index
    %get3A_6 = memref.load %arg1[%get3A_4, %get3A_5] : memref<2x24xi32, #tpu.memory_space<smem>>
    %sub3A = arith.constant 1 : i32
    %sub3A_7 = arith.subi %arg0, %sub3A : i32
    %max3A = arith.constant 0 : i32
    %max3A_8 = arith.maxsi %sub3A_7, %max3A : i32
    %get3A_9 = arith.constant 0 : index
    %get3A_10 = arith.index_cast %max3A_8 : i32 to index
    %get3A_11 = memref.load %arg1[%get3A_9, %get3A_10] : memref<2x24xi32, #tpu.memory_space<smem>>
    %ne3A_12 = arith.cmpi ne, %get3A_6, %get3A_11 : i32
    %or3A = arith.ori %eq3A_3, %ne3A_12 : i1
    %and3A = arith.andi %ne3A_2, %or3A : i1
    %convert_element_type3A = arith.extui %and3A : i1 to i32
    %cond3A = arith.constant 0 : i32
    %cond3A_13 = arith.cmpi ne, %convert_element_type3A, %cond3A : i32
    scf.if %cond3A_13 {
      %get3A_17 = arith.constant 0 : index
      %get3A_18 = arith.constant 0 : index
      %get3A_19 = arith.constant 0 : index
      %get3A_20 = vector.load %arg3[%get3A_17, %get3A_18, %get3A_19] : memref<1x768x1024xf32, #tpu.memory_space<vmem>>, vector<1x768x1024xf32>
      %get3A_21 = vector.shape_cast %get3A_20 : vector<1x768x1024xf32> to vector<768x1024xf32>
      %convert_element_type3A_22 = arith.truncf %get3A_21 : vector<768x1024xf32> to vector<768x1024xbf16>
      %swap3A = arith.constant 0 : index
      %swap3A_23 = arith.constant 0 : index
      %swap3A_24 = vector.load %arg8[%swap3A, %swap3A_23] : memref<768x1024xbf16, #tpu.memory_space<vmem>>, vector<768x1024xbf16>
      tpu.vector_store %arg8[%swap3A, %swap3A_23], %convert_element_type3A_22 {strides = array<i32>} : memref<768x1024xbf16, #tpu.memory_space<vmem>>, vector<768x1024xbf16>,
      %get3A_25 = arith.constant 0 : index
      %get3A_26 = arith.constant 0 : index
      %get3A_27 = arith.constant 0 : index
      %get3A_28 = vector.load %arg4[%get3A_25, %get3A_26, %get3A_27] : memref<1x768x1024xf32, #tpu.memory_space<vmem>>, vector<1x768x1024xf32>
      %get3A_29 = vector.shape_cast %get3A_28 : vector<1x768x1024xf32> to vector<768x1024xf32>
      %convert_element_type3A_30 = arith.truncf %get3A_29 : vector<768x1024xf32> to vector<768x1024xbf16>
      %swap3A_31 = arith.constant 0 : index
      %swap3A_32 = arith.constant 0 : index
      %swap3A_33 = vector.load %arg9[%swap3A_31, %swap3A_32] : memref<768x1024xbf16, #tpu.memory_space<vmem>>, vector<768x1024xbf16>
      tpu.vector_store %arg9[%swap3A_31, %swap3A_32], %convert_element_type3A_30 {strides = array<i32>} : memref<768x1024xbf16, #tpu.memory_space<vmem>>, vector<768x1024xbf16>,
      %get3A_34 = arith.constant 0 : index
      %get3A_35 = arith.constant 0 : index
      %get3A_36 = arith.constant 0 : index
      %get3A_37 = vector.load %arg5[%get3A_34, %get3A_35, %get3A_36] : memref<1x1024x768xf32, #tpu.memory_space<vmem>>, vector<1x1024x768xf32>
      %get3A_38 = vector.shape_cast %get3A_37 : vector<1x1024x768xf32> to vector<1024x768xf32>
      %convert_element_type3A_39 = arith.truncf %get3A_38 : vector<1024x768xf32> to vector<1024x768xbf16>
      %swap3A_40 = arith.constant 0 : index
      %swap3A_41 = arith.constant 0 : index
      %swap3A_42 = vector.load %arg10[%swap3A_40, %swap3A_41] : memref<1024x768xbf16, #tpu.memory_space<vmem>>, vector<1024x768xbf16>
      tpu.vector_store %arg10[%swap3A_40, %swap3A_41], %convert_element_type3A_39 {strides = array<i32>} : memref<1024x768xbf16, #tpu.memory_space<vmem>>, vector<1024x768xbf16>,
    } else {
    }
    %convert_element_type3A_14 = arith.extui %ne3A_2 : i1 to i32
    %cond3A_15 = arith.constant 0 : i32
    %cond3A_16 = arith.cmpi ne, %convert_element_type3A_14, %cond3A_15 : i32
    scf.if %cond3A_16 {
      %get3A_17 = arith.constant 0 : index
      %get3A_18 = arith.constant 0 : index
      %get3A_19 = vector.load %arg2[%get3A_17, %get3A_18] : memref<256x1024xf32, #tpu.memory_space<vmem>>, vector<256x1024xf32>
      %convert_element_type3A_20 = arith.truncf %get3A_19 : vector<256x1024xf32> to vector<256x1024xbf16>
      %get3A_21 = arith.constant 0 : index
      %get3A_22 = arith.constant 0 : index
      %get3A_23 = vector.load %arg8[%get3A_21, %get3A_22] : memref<768x1024xbf16, #tpu.memory_space<vmem>>, vector<768x1024xbf16>
      %dot_general3A = arith.constant dense<0.000000e+00> : vector<256x768xf32>
      %dot_general3A_24 = tpu.matmul %convert_element_type3A_20, %get3A_23, %dot_general3A {dimension_numbers = #tpu.dot_dimension_numbers<[1], [1], [0], [0], [0, 0, 1, 0], [], []>, transpose_lhs_hint = false} : vector<256x1024xbf16>, vector<768x1024xbf16>, vector<256x768xf32> -> vector<256x768xf32>
      %get3A_25 = arith.constant 0 : index
      %get3A_26 = arith.constant 0 : index
      %get3A_27 = vector.load %arg9[%get3A_25, %get3A_26] : memref<768x1024xbf16, #tpu.memory_space<vmem>>, vector<768x1024xbf16>
      %dot_general3A_28 = arith.constant dense<0.000000e+00> : vector<256x768xf32>
      %dot_general3A_29 = tpu.matmul %convert_element_type3A_20, %get3A_27, %dot_general3A_28 {dimension_numbers = #tpu.dot_dimension_numbers<[1], [1], [0], [0], [0, 0, 1, 0], [], []>, transpose_lhs_hint = false} : vector<256x1024xbf16>, vector<768x1024xbf16>, vector<256x768xf32> -> vector<256x768xf32>
      %logistic3A = arith.negf %dot_general3A_24 : vector<256x768xf32>
      %logistic3A_30 = math.exp %logistic3A : vector<256x768xf32>
      %logistic3A_31 = arith.constant 1.000000e+00 : f32
      %logistic3A_32 = vector.broadcast %logistic3A_31 : f32 to vector<256x768xf32>
      %logistic3A_33 = arith.addf %logistic3A_32, %logistic3A_30 : vector<256x768xf32>
      %logistic3A_34 = arith.divf %logistic3A_32, %logistic3A_33 : vector<256x768xf32>
      %mul3A = arith.mulf %dot_general3A_24, %logistic3A_34 : vector<256x768xf32>
      %mul3A_35 = arith.mulf %mul3A, %dot_general3A_29 : vector<256x768xf32>
      %convert_element_type3A_36 = arith.truncf %mul3A_35 : vector<256x768xf32> to vector<256x768xbf16>
      %get3A_37 = arith.constant 0 : index
      %get3A_38 = arith.constant 0 : index
      %get3A_39 = vector.load %arg10[%get3A_37, %get3A_38] : memref<1024x768xbf16, #tpu.memory_space<vmem>>, vector<1024x768xbf16>
      %dot_general3A_40 = arith.constant dense<0.000000e+00> : vector<256x1024xf32>
      %dot_general3A_41 = tpu.matmul %convert_element_type3A_36, %get3A_39, %dot_general3A_40 {dimension_numbers = #tpu.dot_dimension_numbers<[1], [1], [0], [0], [0, 0, 1, 0], [], []>, transpose_lhs_hint = false} : vector<256x768xbf16>, vector<1024x768xbf16>, vector<256x1024xf32> -> vector<256x1024xf32>
      %swap3A = arith.constant 0 : index
      %swap3A_42 = arith.constant 0 : index
      %swap3A_43 = vector.load %arg7[%swap3A, %swap3A_42] : memref<256x1024xf32, #tpu.memory_space<vmem>>, vector<256x1024xf32>
      tpu.vector_store %arg7[%swap3A, %swap3A_42], %dot_general3A_41 {strides = array<i32>} : memref<256x1024xf32, #tpu.memory_space<vmem>>, vector<256x1024xf32>,
    } else {
    }
    return
  }
  func.func @transform_0(%arg0: i32, %arg1: memref<2x24xi32, #tpu.memory_space<smem>>) -> (i32, i32) {
    %c0_i32 = arith.constant 0 : i32
    %c0_i32_0 = arith.constant 0 : i32
    return %arg0, %c0_i32 : i32, i32
  }
  func.func @transform_1(%arg0: i32, %arg1: memref<2x24xi32, #tpu.memory_space<smem>>) -> (i32, i32, i32) {
    %get3A = arith.constant 0 : index
    %get3A_0 = arith.index_cast %arg0 : i32 to index
    %get3A_1 = memref.load %arg1[%get3A, %get3A_0] : memref<2x24xi32, #tpu.memory_space<smem>>
    %c0_i32 = arith.constant 0 : i32
    %c0_i32_2 = arith.constant 0 : i32
    %c0_i32_3 = arith.constant 0 : i32
    return %get3A_1, %c0_i32, %c0_i32_2 : i32, i32, i32
  }
  func.func @transform_2(%arg0: i32, %arg1: memref<2x24xi32, #tpu.memory_space<smem>>) -> (i32, i32, i32) {
    %get3A = arith.constant 0 : index
    %get3A_0 = arith.index_cast %arg0 : i32 to index
    %get3A_1 = memref.load %arg1[%get3A, %get3A_0] : memref<2x24xi32, #tpu.memory_space<smem>>
    %c0_i32 = arith.constant 0 : i32
    %c0_i32_2 = arith.constant 0 : i32
    %c0_i32_3 = arith.constant 0 : i32
    return %get3A_1, %c0_i32, %c0_i32_2 : i32, i32, i32
  }
  func.func @transform_3(%arg0: i32, %arg1: memref<2x24xi32, #tpu.memory_space<smem>>) -> (i32, i32, i32) {
    %get3A = arith.constant 0 : index
    %get3A_0 = arith.index_cast %arg0 : i32 to index
    %get3A_1 = memref.load %arg1[%get3A, %get3A_0] : memref<2x24xi32, #tpu.memory_space<smem>>
    %c0_i32 = arith.constant 0 : i32
    %c0_i32_2 = arith.constant 0 : i32
    %c0_i32_3 = arith.constant 0 : i32
    return %get3A_1, %c0_i32, %c0_i32_2 : i32, i32, i32
  }
  func.func @transform_4(%arg0: i32, %arg1: memref<2x24xi32, #tpu.memory_space<smem>>) -> (i32, i32) {
    %c0_i32 = arith.constant 0 : i32
    %c0_i32_0 = arith.constant 0 : i32
    %c0_i32_1 = arith.constant 0 : i32
    return %c0_i32, %c0_i32_0 : i32, i32
  }
  func.func @transform_5(%arg0: i32, %arg1: memref<2x24xi32, #tpu.memory_space<smem>>) -> (i32, i32) {
    %c0_i32 = arith.constant 0 : i32
    %c0_i32_0 = arith.constant 0 : i32
    return %arg0, %c0_i32 : i32, i32
  }
}

module attributes {stable_mosaic.version = 14 : i64} {
  func.func @_shared_body(%arg0: i32, %arg1: memref<256x1024xf32, #tpu.memory_space<vmem>>, %arg2: memref<1024x1024xf32, #tpu.memory_space<vmem>>, %arg3: memref<1024x1024xf32, #tpu.memory_space<vmem>>, %arg4: memref<1024x1024xf32, #tpu.memory_space<vmem>>, %arg5: memref<256x1024xbf16, #tpu.memory_space<vmem>>, %arg6: memref<1024x1024xbf16, #tpu.memory_space<vmem>>, %arg7: memref<1024x1024xbf16, #tpu.memory_space<vmem>>, %arg8: memref<1024x1024xbf16, #tpu.memory_space<vmem>>) attributes {dimension_semantics = [#tpu.dimension_semantics<arbitrary>], iteration_bounds = array<i64: 8>, scalar_prefetch = 0 : i64, scratch_operands = 3 : i64, tpu.core_type = #tpu.core_type<tc>, window_params = [{transform_indices = @transform_0, window_bounds = array<i64: 256, 1024>}, {transform_indices = @transform_1, window_bounds = array<i64: 1024, 1024>}, {transform_indices = @transform_2, window_bounds = array<i64: 1024, 1024>}, {transform_indices = @transform_3, window_bounds = array<i64: 1024, 1024>}, {transform_indices = @transform_4, window_bounds = array<i64: 256, 1024>}]} {
    %eq3A = arith.constant 0 : i32
    %eq3A_0 = arith.cmpi eq, %arg0, %eq3A : i32
    %convert_element_type3A = arith.extui %eq3A_0 : i1 to i32
    %cond3A = arith.constant 0 : i32
    %cond3A_1 = arith.cmpi ne, %convert_element_type3A, %cond3A : i32
    scf.if %cond3A_1 {
      %get3A_29 = arith.constant 0 : index
      %get3A_30 = arith.constant 0 : index
      %get3A_31 = vector.load %arg2[%get3A_29, %get3A_30] : memref<1024x1024xf32, #tpu.memory_space<vmem>>, vector<1024x1024xf32>
      %convert_element_type3A_32 = arith.truncf %get3A_31 : vector<1024x1024xf32> to vector<1024x1024xbf16>
      %swap3A_33 = arith.constant 0 : index
      %swap3A_34 = arith.constant 0 : index
      %swap3A_35 = vector.load %arg6[%swap3A_33, %swap3A_34] : memref<1024x1024xbf16, #tpu.memory_space<vmem>>, vector<1024x1024xbf16>
      tpu.vector_store %arg6[%swap3A_33, %swap3A_34], %convert_element_type3A_32 {strides = array<i32>} : memref<1024x1024xbf16, #tpu.memory_space<vmem>>, vector<1024x1024xbf16>,
      %get3A_36 = arith.constant 0 : index
      %get3A_37 = arith.constant 0 : index
      %get3A_38 = vector.load %arg3[%get3A_36, %get3A_37] : memref<1024x1024xf32, #tpu.memory_space<vmem>>, vector<1024x1024xf32>
      %convert_element_type3A_39 = arith.truncf %get3A_38 : vector<1024x1024xf32> to vector<1024x1024xbf16>
      %swap3A_40 = arith.constant 0 : index
      %swap3A_41 = arith.constant 0 : index
      %swap3A_42 = vector.load %arg7[%swap3A_40, %swap3A_41] : memref<1024x1024xbf16, #tpu.memory_space<vmem>>, vector<1024x1024xbf16>
      tpu.vector_store %arg7[%swap3A_40, %swap3A_41], %convert_element_type3A_39 {strides = array<i32>} : memref<1024x1024xbf16, #tpu.memory_space<vmem>>, vector<1024x1024xbf16>,
      %get3A_43 = arith.constant 0 : index
      %get3A_44 = arith.constant 0 : index
      %get3A_45 = vector.load %arg4[%get3A_43, %get3A_44] : memref<1024x1024xf32, #tpu.memory_space<vmem>>, vector<1024x1024xf32>
      %convert_element_type3A_46 = arith.truncf %get3A_45 : vector<1024x1024xf32> to vector<1024x1024xbf16>
      %swap3A_47 = arith.constant 0 : index
      %swap3A_48 = arith.constant 0 : index
      %swap3A_49 = vector.load %arg8[%swap3A_47, %swap3A_48] : memref<1024x1024xbf16, #tpu.memory_space<vmem>>, vector<1024x1024xbf16>
      tpu.vector_store %arg8[%swap3A_47, %swap3A_48], %convert_element_type3A_46 {strides = array<i32>} : memref<1024x1024xbf16, #tpu.memory_space<vmem>>, vector<1024x1024xbf16>,
    } else {
    }
    %get3A = arith.constant 0 : index
    %get3A_2 = arith.constant 0 : index
    %get3A_3 = vector.load %arg1[%get3A, %get3A_2] : memref<256x1024xf32, #tpu.memory_space<vmem>>, vector<256x1024xf32>
    %convert_element_type3A_4 = arith.truncf %get3A_3 : vector<256x1024xf32> to vector<256x1024xbf16>
    %get3A_5 = arith.constant 0 : index
    %get3A_6 = arith.constant 0 : index
    %get3A_7 = vector.load %arg6[%get3A_5, %get3A_6] : memref<1024x1024xbf16, #tpu.memory_space<vmem>>, vector<1024x1024xbf16>
    %dot_general3A = arith.constant dense<0.000000e+00> : vector<256x1024xf32>
    %dot_general3A_8 = tpu.matmul %convert_element_type3A_4, %get3A_7, %dot_general3A {dimension_numbers = #tpu.dot_dimension_numbers<[1], [1], [0], [0], [0, 0, 1, 0], [], []>, transpose_lhs_hint = false} : vector<256x1024xbf16>, vector<1024x1024xbf16>, vector<256x1024xf32> -> vector<256x1024xf32>
    %get3A_9 = arith.constant 0 : index
    %get3A_10 = arith.constant 0 : index
    %get3A_11 = vector.load %arg7[%get3A_9, %get3A_10] : memref<1024x1024xbf16, #tpu.memory_space<vmem>>, vector<1024x1024xbf16>
    %dot_general3A_12 = arith.constant dense<0.000000e+00> : vector<256x1024xf32>
    %dot_general3A_13 = tpu.matmul %convert_element_type3A_4, %get3A_11, %dot_general3A_12 {dimension_numbers = #tpu.dot_dimension_numbers<[1], [1], [0], [0], [0, 0, 1, 0], [], []>, transpose_lhs_hint = false} : vector<256x1024xbf16>, vector<1024x1024xbf16>, vector<256x1024xf32> -> vector<256x1024xf32>
    %logistic3A = arith.negf %dot_general3A_8 : vector<256x1024xf32>
    %logistic3A_14 = math.exp %logistic3A : vector<256x1024xf32>
    %logistic3A_15 = arith.constant 1.000000e+00 : f32
    %logistic3A_16 = vector.broadcast %logistic3A_15 : f32 to vector<256x1024xf32>
    %logistic3A_17 = arith.addf %logistic3A_16, %logistic3A_14 : vector<256x1024xf32>
    %logistic3A_18 = arith.divf %logistic3A_16, %logistic3A_17 : vector<256x1024xf32>
    %mul3A = arith.mulf %dot_general3A_8, %logistic3A_18 : vector<256x1024xf32>
    %mul3A_19 = arith.mulf %mul3A, %dot_general3A_13 : vector<256x1024xf32>
    %convert_element_type3A_20 = arith.truncf %mul3A_19 : vector<256x1024xf32> to vector<256x1024xbf16>
    %get3A_21 = arith.constant 0 : index
    %get3A_22 = arith.constant 0 : index
    %get3A_23 = vector.load %arg8[%get3A_21, %get3A_22] : memref<1024x1024xbf16, #tpu.memory_space<vmem>>, vector<1024x1024xbf16>
    %dot_general3A_24 = arith.constant dense<0.000000e+00> : vector<256x1024xf32>
    %dot_general3A_25 = tpu.matmul %convert_element_type3A_20, %get3A_23, %dot_general3A_24 {dimension_numbers = #tpu.dot_dimension_numbers<[1], [1], [0], [0], [0, 0, 1, 0], [], []>, transpose_lhs_hint = false} : vector<256x1024xbf16>, vector<1024x1024xbf16>, vector<256x1024xf32> -> vector<256x1024xf32>
    %convert_element_type3A_26 = arith.truncf %dot_general3A_25 : vector<256x1024xf32> to vector<256x1024xbf16>
    %swap3A = arith.constant 0 : index
    %swap3A_27 = arith.constant 0 : index
    %swap3A_28 = vector.load %arg5[%swap3A, %swap3A_27] : memref<256x1024xbf16, #tpu.memory_space<vmem>>, vector<256x1024xbf16>
    tpu.vector_store %arg5[%swap3A, %swap3A_27], %convert_element_type3A_26 {strides = array<i32>} : memref<256x1024xbf16, #tpu.memory_space<vmem>>, vector<256x1024xbf16>,
    return
  }
  func.func @transform_0(%arg0: i32) -> (i32, i32) {
    %c0_i32 = arith.constant 0 : i32
    %c0_i32_0 = arith.constant 0 : i32
    return %arg0, %c0_i32 : i32, i32
  }
  func.func @transform_1(%arg0: i32) -> (i32, i32) {
    %c1_i32 = arith.constant 1 : i32
    %c0_i32 = arith.constant 0 : i32
    %c0_i32_0 = arith.constant 0 : i32
    return %c1_i32, %c0_i32 : i32, i32
  }
  func.func @transform_2(%arg0: i32) -> (i32, i32) {
    %c1_i32 = arith.constant 1 : i32
    %c0_i32 = arith.constant 0 : i32
    %c0_i32_0 = arith.constant 0 : i32
    return %c1_i32, %c0_i32 : i32, i32
  }
  func.func @transform_3(%arg0: i32) -> (i32, i32) {
    %c0_i32 = arith.constant 0 : i32
    %c1_i32 = arith.constant 1 : i32
    %c0_i32_0 = arith.constant 0 : i32
    return %c0_i32, %c1_i32 : i32, i32
  }
  func.func @transform_4(%arg0: i32) -> (i32, i32) {
    %c0_i32 = arith.constant 0 : i32
    %c0_i32_0 = arith.constant 0 : i32
    return %arg0, %c0_i32 : i32, i32
  }
}

module attributes {stable_mosaic.version = 14 : i64} {
  func.func @_combine_body(%arg0: i32, %arg1: memref<256x1xf32, #tpu.memory_space<vmem>>, %arg2: memref<256x1024xbf16, #tpu.memory_space<vmem>>, %arg3: memref<256x1024xbf16, #tpu.memory_space<vmem>>, %arg4: memref<256x1024xf32, #tpu.memory_space<vmem>>, %arg5: memref<256x1024xf32, #tpu.memory_space<vmem>>, %arg6: memref<256x2xf32, #tpu.memory_space<vmem>>, %arg7: memref<256x1024xf32, #tpu.memory_space<vmem>>) attributes {dimension_semantics = [#tpu.dimension_semantics<arbitrary>], iteration_bounds = array<i64: 8>, scalar_prefetch = 0 : i64, scratch_operands = 0 : i64, tpu.core_type = #tpu.core_type<tc>, window_params = [{transform_indices = @transform_0, window_bounds = array<i64: 256, 1>}, {transform_indices = @transform_1, window_bounds = array<i64: 256, 1024>}, {transform_indices = @transform_2, window_bounds = array<i64: 256, 1024>}, {transform_indices = @transform_3, window_bounds = array<i64: 256, 1024>}, {transform_indices = @transform_4, window_bounds = array<i64: 256, 1024>}, {transform_indices = @transform_5, window_bounds = array<i64: 256, 2>}, {transform_indices = @transform_6, window_bounds = array<i64: 256, 1024>}]} {
    %get3A = arith.constant 0 : index
    %get3A_0 = arith.constant 0 : index
    %get3A_1 = vector.load %arg6[%get3A, %get3A_0] : memref<256x2xf32, #tpu.memory_space<vmem>>, vector<256x2xf32>
    %get3A_2 = arith.constant 0 : index
    %get3A_3 = arith.constant 0 : index
    %get3A_4 = vector.load %arg2[%get3A_2, %get3A_3] : memref<256x1024xbf16, #tpu.memory_space<vmem>>, vector<256x1024xbf16>
    %convert_element_type3A = arith.extf %get3A_4 : vector<256x1024xbf16> to vector<256x1024xf32>
    %get3A_5 = arith.constant 0 : index
    %get3A_6 = arith.constant 0 : index
    %get3A_7 = vector.load %arg3[%get3A_5, %get3A_6] : memref<256x1024xbf16, #tpu.memory_space<vmem>>, vector<256x1024xbf16>
    %convert_element_type3A_8 = arith.extf %get3A_7 : vector<256x1024xbf16> to vector<256x1024xf32>
    %add3A = arith.addf %convert_element_type3A, %convert_element_type3A_8 : vector<256x1024xf32>
    %get3A_9 = arith.constant 0 : index
    %get3A_10 = arith.constant 0 : index
    %get3A_11 = vector.load %arg1[%get3A_9, %get3A_10] : memref<256x1xf32, #tpu.memory_space<vmem>>, vector<256x1xf32>
    %mul3A = vector.broadcast %get3A_11 : vector<256x1xf32> to vector<256x1024xf32>
    %mul3A_12 = arith.mulf %mul3A, %add3A : vector<256x1024xf32>
    %slice3A = vector.extract_strided_slice %get3A_1 {offsets = [0, 0], sizes = [256, 1], strides = [1, 1]} : vector<256x2xf32> to vector<256x1xf32>
    %get3A_13 = arith.constant 0 : index
    %get3A_14 = arith.constant 0 : index
    %get3A_15 = vector.load %arg4[%get3A_13, %get3A_14] : memref<256x1024xf32, #tpu.memory_space<vmem>>, vector<256x1024xf32>
    %mul3A_16 = vector.broadcast %slice3A : vector<256x1xf32> to vector<256x1024xf32>
    %mul3A_17 = arith.mulf %mul3A_16, %get3A_15 : vector<256x1024xf32>
    %add3A_18 = arith.addf %mul3A_12, %mul3A_17 : vector<256x1024xf32>
    %slice3A_19 = vector.extract_strided_slice %get3A_1 {offsets = [0, 1], sizes = [256, 1], strides = [1, 1]} : vector<256x2xf32> to vector<256x1xf32>
    %get3A_20 = arith.constant 0 : index
    %get3A_21 = arith.constant 0 : index
    %get3A_22 = vector.load %arg5[%get3A_20, %get3A_21] : memref<256x1024xf32, #tpu.memory_space<vmem>>, vector<256x1024xf32>
    %mul3A_23 = vector.broadcast %slice3A_19 : vector<256x1xf32> to vector<256x1024xf32>
    %mul3A_24 = arith.mulf %mul3A_23, %get3A_22 : vector<256x1024xf32>
    %add3A_25 = arith.addf %add3A_18, %mul3A_24 : vector<256x1024xf32>
    %swap3A = arith.constant 0 : index
    %swap3A_26 = arith.constant 0 : index
    %swap3A_27 = vector.load %arg7[%swap3A, %swap3A_26] : memref<256x1024xf32, #tpu.memory_space<vmem>>, vector<256x1024xf32>
    tpu.vector_store %arg7[%swap3A, %swap3A_26], %add3A_25 {strides = array<i32>} : memref<256x1024xf32, #tpu.memory_space<vmem>>, vector<256x1024xf32>,
    return
  }
  func.func @transform_0(%arg0: i32) -> (i32, i32) {
    %c0_i32 = arith.constant 0 : i32
    %c0_i32_0 = arith.constant 0 : i32
    return %arg0, %c0_i32 : i32, i32
  }
  func.func @transform_1(%arg0: i32) -> (i32, i32) {
    %c0_i32 = arith.constant 0 : i32
    %c0_i32_0 = arith.constant 0 : i32
    return %arg0, %c0_i32 : i32, i32
  }
  func.func @transform_2(%arg0: i32) -> (i32, i32) {
    %c0_i32 = arith.constant 0 : i32
    %c0_i32_0 = arith.constant 0 : i32
    return %arg0, %c0_i32 : i32, i32
  }
  func.func @transform_3(%arg0: i32) -> (i32, i32) {
    %c0_i32 = arith.constant 0 : i32
    %c0_i32_0 = arith.constant 0 : i32
    return %arg0, %c0_i32 : i32, i32
  }
  func.func @transform_4(%arg0: i32) -> (i32, i32) {
    %add3A = arith.constant 8 : i32
    %add3A_0 = arith.addi %arg0, %add3A : i32
    %c0_i32 = arith.constant 0 : i32
    %c0_i32_1 = arith.constant 0 : i32
    return %add3A_0, %c0_i32 : i32, i32
  }
  func.func @transform_5(%arg0: i32) -> (i32, i32) {
    %c0_i32 = arith.constant 0 : i32
    %c0_i32_0 = arith.constant 0 : i32
    return %arg0, %c0_i32 : i32, i32
  }
  func.func @transform_6(%arg0: i32) -> (i32, i32) {
    %c0_i32 = arith.constant 0 : i32
    %c0_i32_0 = arith.constant 0 : i32
    return %arg0, %c0_i32 : i32, i32
  }
}

</mosaic_0001>

<sc_bundles>
// kernel: kernel.12.cloned.1.call-start
scs
__scs_entry_jumppad:
0x0: {  	(pc) =	sbr.rel $0x88, $3  }
0x1: {  	(tag) =	ssettag $0x0;
	lr =	simm.s32 $0x1  }
0x2: {  	[smem:$0x3F98] =	sst lr;
	_ =	strace $0xD0000000  }
0x3: {  	_ = 	snop  }
0x4: {  	_ = 	snop  }
0x5: {  	_ = 	snop  }
0x6: {  	_ = 	snop  }
0x7: {  	_ = 	snop  }
__scs_overlays_trampoline_lowered:
0x8: {  	[smem:$0x3FA7] =	sst s0  }
0x9: {  	[smem:$0x3FA8] =	sst s1  }
0xa: {  	[smem:$0x3FA9] =	sst s2  }
0xb: {  	[smem:$0x3FAA] =	sst s3  }
0xc: {  	[smem:$0x3FAB] =	sst s4  }
0xd: {  	[smem:$0x3FAC] =	sst s5  }
0xe: {  	[smem:$0x3FAD] =	sst s6  }
0xf: {  	[smem:$0x3FAE] =	sst s7  }
0x10: {  	[smem:$0x3FAF] =	sst s8  }
0x11: {  	[smem:$0x3FB0] =	sst s9;
	s0 =	simm.s32 @!p0 $0x0  }
0x12: {  	s1 =	sld [smem:$0x3F96];
	s0 =	simm.s32 @p0 $0x1  }
0x13: {  	[smem:$0x3FB1] =	sst s0;
	s0 =	simm.s32 @!p1 $0x0  }
0x14: {  	s2 =	sld [smem:$0x3F95];
	s0 =	simm.s32 @p1 $0x1  }
0x15: {  	[smem:$0x3FB2] =	sst s0;
	s0 =	simm.s32 @!p2 $0x0  }
0x16: {  	s3 =	sld [smem:$0x3FDB];
	s0 =	simm.s32 @p2 $0x1  }
0x17: {  	s4 =	simm.s32 $0x1BF5;
	[smem:$0x3FB4] =	sst s0  }
0x18: {  	s0 =	sld [smem:$0x3F97];
	_ =	swait.ge [sflag:s4], $0x0  }
0x19: {  	s7 =	sld [smem:$0x3F98]  }
0x1a: {  	s8 =	sadd.s32 $0xFFFFE003, lr  }
0x1b: {  	s9 =	sadd.s32 $0xFFFFFEF7, lr;
	s5 =	simm.s32 $0xFFFFFFFF;
	p2 =	slt.u32 s8, $0xFFFFF086  }
0x1c: {  	p1 =	slt.u32 s9, $0xF7A;
	s5 =	simm.s32 @!p2 $0x0  }
0x1d: {  	s5 =	simm.s32 @p1 $0x1;
	p0 =	seq.s32 s7, s2  }
0x1e: {  	s7 =	smul.u32 @!p0 $0xF7A, s2;
	p2 =	seq.s32 @!p0 s5, $0x0  }
0x1f: {  	s9 =	smul.u32 $0xF7A, s1;
	s8 =	simm.s32 @!p0 $0x1BF5;
	p2 =	por !p2, p0  }
0x20: {  	[sflag:s8] =	ssyncset.s32 @!p0 $0xFFFFF086;
	s6 =	sadd.s32 @!p0 s3, s7;
	s7 =	simm.s32 @!p0 $0x108  }
0x21: {  	s3 =	sadd.s32 s3, s9;
	s6 =	sadd.s32 @!p0 $0x88, s6;
	s7 =	simm.s32 @p2 $0x1082  }
0x22: {  	[simem:s7], [sflag:s8] =	dma.local @!p0 [hbm:s6], $0xF7A  }
0x23: {  	s9 =	sor.u32 $0xD0000000, s2;
	s6 =	simm.s32 $0x108;
	_ =	swait.ge @!p0 [sflag:s8], $0x0  }
0x24: {  	s3 =	sadd.s32 $0x88, s3;
	s6 =	simm.s32 @!p1 $0x1082;
	[sflag:s4] =	ssyncset.s32 $0xFFFFF086  }
0x25: {  	[simem:s6], [sflag:s4] =	dma.local [hbm:s3], $0xF7A  }
0x26: {  	[smem:$0x3F98] =	sst s1;
	(tag) =	ssettag s2;
	_ =	strace s9  }
0x27: {  	s1 =	sld [smem:$0x3FA8]  }
0x28: {  	s2 =	sld [smem:$0x3FA9]  }
0x29: {  	s4 =	sld [smem:$0x3FAB]  }
0x2a: {  	p0 =	seq.s32 s5, $0x0;
	s5 =	sld [smem:$0x3FAC]  }
0x2b: {  	s6 =	sld [smem:$0x3FAD]  }
0x2c: {  	s7 =	sld [smem:$0x3FAE]  }
0x2d: {  	s3 =	simm.s32 $0x108;
	s8 =	sld [smem:$0x3FAF]  }
0x2e: {  	s3 =	simm.s32 @!p0 $0x1082;
	s9 =	sld [smem:$0x3FB0]  }
0x2f: {  	lr =	sadd.s32 s0, s3;
	s0 =	sld [smem:$0x3FA7]  }
0x30: {  	s3 =	sld [smem:$0x3FAA]  }
0x31: {  	[smem:$0x3FB3] =	sst s10  }
0x32: {  	s10 =	sld [smem:$0x3FB1];
	_ =	sdelay $0x3  }
0x33: {  	p0 =	seq.s32 s10, $0x1;
	s10 =	sld [smem:$0x3FB3];
	_ =	sdelay $0x3  }
0x34: {  	[smem:$0x3FB3] =	sst s10  }
0x35: {  	s10 =	sld [smem:$0x3FB2];
	_ =	sdelay $0x3  }
0x36: {  	p1 =	seq.s32 s10, $0x1;
	s10 =	sld [smem:$0x3FB3];
	_ =	sdelay $0x3  }
0x37: {  	[smem:$0x3FB3] =	sst s10  }
0x38: {  	s10 =	sld [smem:$0x3FB4]  }
0x39: {  	_ = 	snop;
	(pc) =	sbr.ind lr, $3  }
0x3a: {  	_ = 	snop  }
0x3b: {  	_ = 	snop  }
0x3c: {  	p2 =	seq.s32 s10, $0x1;
	s10 =	sld [smem:$0x3FB3]  }
0x3d: {  	_ =	shalt  }
0x3e: {  	_ =	shalt  }
0x3f: {  	_ =	shalt  }
0x40: {  	_ =	shalt  }
0x41: {  	_ =	shalt  }
0x42: {  	_ =	shalt  }
0x43: {  	_ =	shalt  }
0x44: {  	_ =	shalt  }
0x45: {  	_ =	shalt  }
0x46: {  	_ =	shalt  }
0x47: {  	_ =	shalt  }
0x48: {  	_ =	shalt  }
0x49: {  	_ =	shalt  }
0x4a: {  	_ =	shalt  }
0x4b: {  	_ =	shalt  }
0x4c: {  	_ =	shalt  }
0x4d: {  	_ =	shalt  }
0x4e: {  	_ =	shalt  }
0x4f: {  	_ =	shalt  }
0x50: {  	_ =	shalt  }
0x51: {  	_ =	shalt  }
0x52: {  	_ =	shalt  }
0x53: {  	_ =	shalt  }
0x54: {  	_ =	shalt  }
0x55: {  	_ =	shalt  }
0x56: {  	_ =	shalt  }
0x57: {  	_ =	shalt  }
0x58: {  	_ =	shalt  }
0x59: {  	_ =	shalt  }
0x5a: {  	_ =	shalt  }
0x5b: {  	_ =	shalt  }
0x5c: {  	_ =	shalt  }
0x5d: {  	_ =	shalt  }
0x5e: {  	_ =	shalt  }
0x5f: {  	_ =	shalt  }
0x60: {  	_ =	shalt  }
0x61: {  	_ =	shalt  }
0x62: {  	_ =	shalt  }
0x63: {  	_ =	shalt  }
0x64: {  	_ =	shalt  }
0x65: {  	_ =	shalt  }
0x66: {  	_ =	shalt  }
0x67: {  	_ =	shalt  }
0x68: {  	_ =	shalt  }
0x69: {  	_ =	shalt  }
0x6a: {  	_ =	shalt  }
0x6b: {  	_ =	shalt  }
0x6c: {  	_ =	shalt  }
0x6d: {  	_ =	shalt  }
0x6e: {  	_ =	shalt  }
0x6f: {  	_ =	shalt  }
0x70: {  	_ =	shalt  }
0x71: {  	_ =	shalt  }
0x72: {  	_ =	shalt  }
0x73: {  	_ =	shalt  }
0x74: {  	_ =	shalt  }
0x75: {  	_ =	shalt  }
0x76: {  	_ =	shalt  }
0x77: {  	_ =	shalt  }
0x78: {  	_ =	shalt  }
0x79: {  	_ =	shalt  }
0x7a: {  	_ =	shalt  }
0x7b: {  	_ =	shalt  }
0x7c: {  	_ =	shalt  }
0x7d: {  	_ =	shalt  }
0x7e: {  	_ =	shalt  }
0x7f: {  	_ =	shalt  }
0x80: {  	_ =	shalt  }
0x81: {  	_ =	shalt  }
0x82: {  	_ =	shalt  }
0x83: {  	_ =	shalt  }
0x84: {  	_ =	shalt  }
0x85: {  	_ =	shalt  }
0x86: {  	_ =	shalt  }
0x87: {  	_ =	shalt  }
.Lfunc_end0:
.L_simem_size_0:
called_computation.1_lowered:
.L_overlay_start_0:
0x88: {  	s2 =	sld [smem:$0x3FD9]  }
0x89: {  	s3 =	sld [smem:$0x3FFE];
	_ =	sdelay $0x1  }
0x8a: {  	s1 =	srdreg.scid  }
0x8b: {  	s0 =	sand.u32 $0x1, s1  }
0x8c: {  	s16 =	sshll.u32 s0, $0xA;
	s2 =	sadd.s32 s3, s2  }
0x8d: {  	s2 =	sadd.s32 s2, s16  }
0x8e: {  	[smem:$0x3FBF] =	sst s2  }
0x8f: {  	_ = 	snop  }
0x90: {  	(tm) =	ssettm $0x1  }
0x91: {  	s17 =	sld [smem:$0x3FFB];
	_ =	sdelay $0x3  }
0x92: {  	_ =	strace s17  }
0x93: {  	s2 =	sld [smem:$0x3FFC];
	_ =	sdelay $0x3  }
0x94: {  	_ =	strace s2  }
0x95: {  	s2 =	sld [smem:$0x3FFD];
	_ =	sdelay $0x3  }
0x96: {  	_ =	strace s2  }
0x97: {  	_ =	strace $0x8FFFFFFF  }
0x98: {  	s18 =	sld [smem:$0x3FDB];
	_ =	sdelay $0x1  }
0x99: {  	s19 =	simm.s32 $_scs_section_size  }
0x9a: {  	s4 =	simm.s32 $_size__tile_overlayer_lowered;
	s5 =	simm.s32 $_tile_overlayer_lowered  }
0x9b: {  	s22 =	simm.s32 $0x1BFF;
	s21 =	sshll.u32 s5, $0x1;
	s2 =	sadd.s32 s19, s18  }
0x9c: {  	s6 =	simm.s32 $0x0;
	s20 =	sshll.u32 s4, $0x1;
	s4 =	sadd.s32 s21, s2  }
0x9d: {  	[timem:s6], [sflag:s22] =	dma.local [hbm:s4], s20  }
0x9e: {  	_ =	swait.ge [sflag:s22], s20  }
0x9f: {  	s3 =	ssub.s32 $0x0, s20;
	[sflag:s22] =	ssyncset.done $0x0  }
0xa0: {  	[sflag:s22] =	ssyncadd.s32 s3;
	_ =	sdelay $0x1  }
0xa1: {  	s23 =	simm.s32 $0x1B8B  }
0xa2: {  	_ =	swait.ge [sflag:s23], $0x1  }
0xa3: {  	[sflag:s23] =	ssyncset.done $0x0  }
0xa4: {  	s25 =	simm.s32 $0x1B8E;
	s24 =	sld [smem:$0x3FFE];
	[sflag:s23] =	ssyncadd.s32 $0xFFFFFFFF  }
0xa5: {  	s26 =	simm.s32 $execute0_lowered;
	[smem:$0x3FD2] =	sst s25  }
0xa6: {  	s4 =	sshll.u32 s26, $0x1;
	_ =	strace $0x80000049;
	[dreg:$0x1] =	wrdreg $0xFFFFFFFF  }
0xa7: {  	s28 =	simm.s32 $_size_execute0_lowered;
	s2 =	sadd.s32 s2, s4;
	[dreg:$0x0] =	wrdreg $0x0  }
0xa8: {  	s4 =	sshll.u32 s28, $0x1;
	[dreg:$0x2] =	wrdreg s2  }
0xa9: {  	[dreg:$0x3] =	wrdreg s4  }
0xaa: {  	[dreg:$0x4] =	wrdreg $0xC0  }
0xab: {  	_ =	task [dreg:s6], $0x5FFFF  }
0xac: {  	[dreg:$0x1] =	wrdreg $0xFFFFFFFF  }
0xad: {  	[dreg:$0x0] =	wrdreg $0x60  }
0xae: {  	[dreg:$0x2] =	wrdreg s24  }
0xaf: {  	[dreg:$0x3] =	wrdreg $0x9  }
0xb0: {  	_ =	task.clear_ibuf [dreg:s6], $0x4FFFF;
	_ =	strace $0x90000049  }
0xb1: {  	s29 =	simm.s32 $0x9;
	_ =	strace $0x8000004B  }
0xb2: {  	_ =	swait.ge [sflag:s29], $0x1  }
0xb3: {  	[sflag:s29] =	ssyncadd.s32 $0xFFFFFFFF  }
0xb4: {  	_ =	strace $0x9000004B  }
0xb5: {  	_ =	sfence  }
0xb6: {  	s30 =	sld [smem:$0x0];
	_ =	sdelay $0x2  }
0xb7: {  	s31 =	sshll.u32 s1, $0xD;
	s1 =	sshrl.u32 s1, $0x2  }
0xb8: {  	s3 =	sand.u32 $0x4000, s31;
	s1 =	sadd.s32 s1, s30  }
0xb9: {  	s0 =	sor.u32 s3, s0;
	s1 =	sshll.u32 s1, $0x11  }
0xba: {  	s0 =	sor.u32 s1, s0  }
0xbb: {  	s0 =	sadd.s32 $0x8F2B, s0  }
0xbc: {  	[sflag:s0] =	ssyncadd.remote.s32 $0x1  }
0xbd: {  	_ =	sfence.sel $0xFFFF  }
0xbe: {  	[dreg:$0x0] =	wrdreg $0xFFFFFFFF;
	(pc) =	sbr.abs _section_cstart, $3  }
0xbf: {  	[dreg:$0x1] =	wrdreg $0xFFFFFFFF  }
0xc0: {  	_ =	task.clear_ibuf [dreg:s6], $0x2FFFF;
	_ =	strace $0x9FFFFFFF  }
0xc1: {  	(tm) =	ssettm $0x7FFFFFFF  }
tec
execute0_lowered:
.L_overlay_start_1:
0x0: {  	(tag) =	ssettag $0x1  }
0x1: {  	s0 =	rddreg [dreg:$0x0];
	s1 =	srdreg.scid  }
0x2: {  	s3 =	stileid.u32;
	s2 =	simm.s32 $0x0;
	s19 =	simm.s32 $0x3  }
0x3: {  	s20 =	simm.s32 $0x2;
	s21 =	simm.s32 $0x4;
	s23 =	simm.s32 $0xA00  }
0x4: {  	s28 =	simm.s32 $0x2200;
	s29 =	simm.s32 $0x2A00;
	s30 =	simm.s32 $0x3200  }
0x5: {  	s31 =	simm.s32 $0x3A00;
	s10 =	simm.s32 $0x5200;
	s11 =	simm.s32 $0x5A00  }
0x6: {  	s12 =	simm.s32 $0x6200;
	s13 =	simm.s32 $0x6A00;
	s14 =	simm.s32 $0x7200  }
0x7: {  	s15 =	simm.s32 $0x7A00;
	s18 =	simm.s32 $0x8200;
	s16 =	simm.s32 $0x8A00  }
0x8: {  	s1 =	sand.u32 $0x1, s1;
	s3 =	sshll.u32 s3, $0x1;
	[smem:$0x7FF] =	sst s2  }
0x9: {  	s17 =	simm.s32 $0x9200;
	s4 =	sor.u32 s1, s3;
	_ =	strace $0x8000004A  }
0xa: {  	s3 =	sadd.s32 $0xC0A00, s0;
	s1 =	ssub.s32 $0x2, s1;
	s5 =	sshll.u32 s4, $0x6  }
0xb: {  	s4 =	sshll.u32 s4, $0xE;
	s24 =	sshrl.u32 s1, $0x1;
	s5 =	sadd.s32 s5, s0  }
0xc: {  	s7 =	sadd.s32 s4, s0;
	s1 =	ssub.s32 s1, s24;
	s5 =	sadd.s32 $0x200, s5  }
0xd: {  	s4 =	sadd.s32 $0xC0B00, s0;
	s25 =	sadd.s32 $0xA00, s7;
	[dreg:$0x2] =	wrdreg s5  }
0xe: {  	s24 =	simm.s32 $0x1200;
	s6 =	sadd.s32 $0x1A00, s7;
	[dreg:$0x3] =	wrdreg s25  }
0xf: {  	s8 =	sadd.s32 $0x2A00, s7;
	s26 =	sadd.s32 $0x3A00, s7;
	[dreg:$0x4] =	wrdreg s6  }
0x10: {  	v2 =	vlaneseq.u32;
	s7 =	smax.u32 s1, $0x1;
	s1 =	simm.s32 $0x4A00;
	[dreg:$0x5] =	wrdreg s8  }
0x11: {  	vm0 =	vmmov $0xffff;
	v1 =	vshrl.u32 v2, $0x3;
	s5 =	sadd.s32 $0xC0C00, s0;
	s6 =	sadd.s32 $0xC0D00, s0;
	[dreg:$0x6] =	wrdreg s26  }
0x12: {  	v0 =	vand.u32 $0x7, v2;
	v2 =	vor.u32 $0x8, v2;
	v1 =	vmul.u32 $0x8, v1;
	s8 =	simm.s32 $0x1;
	s25 =	simm.s32 $0x200;
	s26 =	simm.s32 $0x1A00  }
.LBB2_1:
0x13: {  	s22 =	rddreg [dreg:$0x2];
	s0 =	simm.s32 $0x5  }
0x14: {  	[tilespmem:s2], [sflag:$0x5] =	stream.linear.gather [hbm4b:s22+s2], $0x200, $0x38;
	[tilespmem:$0x10200] =	vst v63  }
0x15: {  	_ =	swait.ge [sflag:s0], $0x200  }
0x16: {  	[sflag:s0] =	ssyncset.done $0x0  }
0x17: {  	[sflag:s0] =	ssyncadd.s32 $0xFFFFFE00  }
0x18: {  	v3 =	vld [tilespmem:$0x0];
	_ =	sdelay $0x4  }
0x19: {  	v4 =	vshll.u32 v3, $0x3  }
0x1a: {  	v3 =	vand.u32 $0x7, v3;
	v4 =	vand.u32 $0xFFFFFFC0, v4  }
0x1b: {  	v3 =	vor.u32 v3, v4  }
0x1c: {  	v4 =	vperm.xlane v3, v0;
	_ =	sdelay $0x1  }
0x1d: {  	v4 =	vadd.s32 v1, v4;
	_ =	sdelay $0x4  }
0x1e: {  	[tilespmem:s25], [sflag:$0x1] =	stream.indirect_vreg.gather [hbm4b:s3+s2], $0x80, v4, vm0, $0xb8;
	[tilespmem:$0x10200] =	vst v63  }
0x1f: {  	v3 =	vperm.xlane v3, v2  }
0x20: {  	[tilespmem:s23], [sflag:$0x1] =	stream.indirect_vreg.gather [hbm4b:s4+s2], $0x80, v4, vm0, $0xb8;
	[tilespmem:$0x10200] =	vst v63  }
0x21: {  	v3 =	vadd.s32 v1, v3  }
0x22: {  	[tilespmem:s24], [sflag:$0x1] =	stream.indirect_vreg.gather [hbm4b:s5+s2], $0x80, v4, vm0, $0xb8;
	[tilespmem:$0x10200] =	vst v63  }
0x23: {  	_ = 	snop  }
0x24: {  	[tilespmem:s26], [sflag:$0x1] =	stream.indirect_vreg.gather [hbm4b:s6+s2], $0x80, v4, vm0, $0xb8;
	[tilespmem:$0x10200] =	vst v63  }
0x25: {  	_ = 	snop  }
0x26: {  	[tilespmem:s28], [sflag:$0x1] =	stream.indirect_vreg.gather [hbm4b:s3+s2], $0x80, v3, vm0, $0xb8;
	[tilespmem:$0x10200] =	vst v63  }
0x27: {  	_ = 	snop  }
0x28: {  	[tilespmem:s29], [sflag:$0x1] =	stream.indirect_vreg.gather [hbm4b:s4+s2], $0x80, v3, vm0, $0xb8;
	[tilespmem:$0x10200] =	vst v63  }
0x29: {  	_ = 	snop  }
0x2a: {  	[tilespmem:s30], [sflag:$0x1] =	stream.indirect_vreg.gather [hbm4b:s5+s2], $0x80, v3, vm0, $0xb8;
	[tilespmem:$0x10200] =	vst v63  }
0x2b: {  	_ = 	snop  }
0x2c: {  	[tilespmem:s31], [sflag:$0x1] =	stream.indirect_vreg.gather [hbm4b:s6+s2], $0x80, v3, vm0, $0xb8;
	[tilespmem:$0x10200] =	vst v63  }
0x2d: {  	v3 =	vld [tilespmem:$0x10];
	_ =	sdelay $0x4  }
0x2e: {  	v57 =	vshll.u32 v3, $0x3  }
0x2f: {  	v3 =	vand.u32 $0x7, v3;
	v4 =	vand.u32 $0xFFFFFFC0, v57  }
0x30: {  	v3 =	vor.u32 v3, v4  }
0x31: {  	v4 =	vperm.xlane v3, v0;
	_ =	sdelay $0x1  }
0x32: {  	v4 =	vadd.s32 v1, v4;
	_ =	sdelay $0x3  }
0x33: {  	s0 =	simm.s32 $0x4200  }
0x34: {  	[tilespmem:s0], [sflag:$0x1] =	stream.indirect_vreg.gather [hbm4b:s3+s2], $0x80, v4, vm0, $0xb8;
	[tilespmem:$0x10200] =	vst v63  }
0x35: {  	v3 =	vperm.xlane v3, v2  }
0x36: {  	[tilespmem:s1], [sflag:$0x1] =	stream.indirect_vreg.gather [hbm4b:s4+s2], $0x80, v4, vm0, $0xb8;
	[tilespmem:$0x10200] =	vst v63  }
0x37: {  	v3 =	vadd.s32 v1, v3  }
0x38: {  	[tilespmem:s10], [sflag:$0x1] =	stream.indirect_vreg.gather [hbm4b:s5+s2], $0x80, v4, vm0, $0xb8;
	[tilespmem:$0x10200] =	vst v63  }
0x39: {  	_ = 	snop  }
0x3a: {  	[tilespmem:s11], [sflag:$0x1] =	stream.indirect_vreg.gather [hbm4b:s6+s2], $0x80, v4, vm0, $0xb8;
	[tilespmem:$0x10200] =	vst v63  }
0x3b: {  	_ = 	snop  }
0x3c: {  	[tilespmem:s12], [sflag:$0x1] =	stream.indirect_vreg.gather [hbm4b:s3+s2], $0x80, v3, vm0, $0xb8;
	[tilespmem:$0x10200] =	vst v63  }
0x3d: {  	_ = 	snop  }
0x3e: {  	[tilespmem:s13], [sflag:$0x1] =	stream.indirect_vreg.gather [hbm4b:s4+s2], $0x80, v3, vm0, $0xb8;
	[tilespmem:$0x10200] =	vst v63  }
0x3f: {  	_ = 	snop  }
0x40: {  	[tilespmem:s14], [sflag:$0x1] =	stream.indirect_vreg.gather [hbm4b:s5+s2], $0x80, v3, vm0, $0xb8;
	[tilespmem:$0x10200] =	vst v63  }
0x41: {  	_ = 	snop  }
0x42: {  	[tilespmem:s15], [sflag:$0x1] =	stream.indirect_vreg.gather [hbm4b:s6+s2], $0x80, v3, vm0, $0xb8;
	[tilespmem:$0x10200] =	vst v63  }
0x43: {  	v3 =	vld [tilespmem:$0x80];
	_ =	sdelay $0x4  }
0x44: {  	v58 =	vshll.u32 v3, $0x3  }
0x45: {  	v3 =	vand.u32 $0x7, v3;
	v4 =	vand.u32 $0xFFFFFFC0, v58  }
0x46: {  	v3 =	vor.u32 v3, v4  }
0x47: {  	v4 =	vperm.xlane v3, v0;
	_ =	sdelay $0x1  }
0x48: {  	v4 =	vadd.s32 v1, v4;
	_ =	sdelay $0x4  }
0x49: {  	[tilespmem:s18], [sflag:$0x2] =	stream.indirect_vreg.gather [hbm4b:s3+s2], $0x80, v4, vm0, $0xb8;
	[tilespmem:$0x10200] =	vst v63  }
0x4a: {  	v3 =	vperm.xlane v3, v2  }
0x4b: {  	[tilespmem:s16], [sflag:$0x2] =	stream.indirect_vreg.gather [hbm4b:s4+s2], $0x80, v4, vm0, $0xb8;
	[tilespmem:$0x10200] =	vst v63  }
0x4c: {  	v3 =	vadd.s32 v1, v3  }
0x4d: {  	[tilespmem:s17], [sflag:$0x2] =	stream.indirect_vreg.gather [hbm4b:s5+s2], $0x80, v4, vm0, $0xb8;
	[tilespmem:$0x10200] =	vst v63  }
0x4e: {  	s9 =	simm.s32 $0x9A00  }
0x4f: {  	[tilespmem:s9], [sflag:$0x2] =	stream.indirect_vreg.gather [hbm4b:s6+s2], $0x80, v4, vm0, $0xb8;
	[tilespmem:$0x10200] =	vst v63  }
0x50: {  	s9 =	simm.s32 $0xA200  }
0x51: {  	[tilespmem:s9], [sflag:$0x2] =	stream.indirect_vreg.gather [hbm4b:s3+s2], $0x80, v3, vm0, $0xb8;
	[tilespmem:$0x10200] =	vst v63  }
0x52: {  	s22 =	simm.s32 $0xAA00  }
0x53: {  	[tilespmem:s22], [sflag:$0x2] =	stream.indirect_vreg.gather [hbm4b:s4+s2], $0x80, v3, vm0, $0xb8;
	[tilespmem:$0x10200] =	vst v63  }
0x54: {  	s22 =	simm.s32 $0xB200  }
0x55: {  	[tilespmem:s22], [sflag:$0x2] =	stream.indirect_vreg.gather [hbm4b:s5+s2], $0x80, v3, vm0, $0xb8;
	[tilespmem:$0x10200] =	vst v63  }
0x56: {  	s22 =	simm.s32 $0xBA00  }
0x57: {  	[tilespmem:s22], [sflag:$0x2] =	stream.indirect_vreg.gather [hbm4b:s6+s2], $0x80, v3, vm0, $0xb8;
	[tilespmem:$0x10200] =	vst v63  }
0x58: {  	v3 =	vld [tilespmem:$0x90];
	_ =	sdelay $0x4  }
0x59: {  	v59 =	vshll.u32 v3, $0x3  }
0x5a: {  	v3 =	vand.u32 $0x7, v3;
	v4 =	vand.u32 $0xFFFFFFC0, v59  }
0x5b: {  	v3 =	vor.u32 v3, v4  }
0x5c: {  	v4 =	vperm.xlane v3, v0;
	_ =	sdelay $0x1  }
0x5d: {  	v4 =	vadd.s32 v1, v4;
	_ =	sdelay $0x3  }
0x5e: {  	s22 =	simm.s32 $0xC200  }
0x5f: {  	[tilespmem:s22], [sflag:$0x2] =	stream.indirect_vreg.gather [hbm4b:s3+s2], $0x80, v4, vm0, $0xb8;
	[tilespmem:$0x10200] =	vst v63  }
0x60: {  	v3 =	vperm.xlane v3, v2;
	s22 =	simm.s32 $0xCA00  }
0x61: {  	[tilespmem:s22], [sflag:$0x2] =	stream.indirect_vreg.gather [hbm4b:s4+s2], $0x80, v4, vm0, $0xb8;
	[tilespmem:$0x10200] =	vst v63  }
0x62: {  	v3 =	vadd.s32 v1, v3;
	s22 =	simm.s32 $0xD200  }
0x63: {  	[tilespmem:s22], [sflag:$0x2] =	stream.indirect_vreg.gather [hbm4b:s5+s2], $0x80, v4, vm0, $0xb8;
	[tilespmem:$0x10200] =	vst v63  }
0x64: {  	s22 =	simm.s32 $0xDA00  }
0x65: {  	[tilespmem:s22], [sflag:$0x2] =	stream.indirect_vreg.gather [hbm4b:s6+s2], $0x80, v4, vm0, $0xb8;
	[tilespmem:$0x10200] =	vst v63  }
0x66: {  	s22 =	simm.s32 $0xE200  }
0x67: {  	[tilespmem:s22], [sflag:$0x2] =	stream.indirect_vreg.gather [hbm4b:s3+s2], $0x80, v3, vm0, $0xb8;
	[tilespmem:$0x10200] =	vst v63  }
0x68: {  	s22 =	simm.s32 $0xEA00  }
0x69: {  	[tilespmem:s22], [sflag:$0x2] =	stream.indirect_vreg.gather [hbm4b:s4+s2], $0x80, v3, vm0, $0xb8;
	[tilespmem:$0x10200] =	vst v63  }
0x6a: {  	s22 =	simm.s32 $0xF200  }
0x6b: {  	[tilespmem:s22], [sflag:$0x2] =	stream.indirect_vreg.gather [hbm4b:s5+s2], $0x80, v3, vm0, $0xb8;
	[tilespmem:$0x10200] =	vst v63  }
0x6c: {  	s22 =	simm.s32 $0xFA00  }
0x6d: {  	[tilespmem:s22], [sflag:$0x2] =	stream.indirect_vreg.gather [hbm4b:s6+s2], $0x80, v3, vm0, $0xb8;
	[tilespmem:$0x10200] =	vst v63  }
0x6e: {  	_ =	swait.ge [sflag:s8], $0x8000  }
0x6f: {  	[sflag:s8] =	ssyncset.done $0x0  }
0x70: {  	s22 =	rddreg [dreg:$0x3];
	[sflag:s8] =	ssyncadd.s32 $0xFFFF8000  }
0x71: {  	[hbm4b:s22+s2] =	stream.linear.scatter [tilespmem:s25], [sflag:$0x3], $0x8000, $0x38;
	[tilespmem:$0x10200] =	vst v63  }
0x72: {  	_ =	swait.ge [sflag:s19], $0x8000  }
0x73: {  	[sflag:s19] =	ssyncset.done $0x0  }
0x74: {  	[sflag:s19] =	ssyncadd.s32 $0xFFFF8000  }
0x75: {  	v3 =	vld [tilespmem:$0x100];
	_ =	sdelay $0x4  }
0x76: {  	v60 =	vshll.u32 v3, $0x3  }
0x77: {  	v3 =	vand.u32 $0x7, v3;
	v4 =	vand.u32 $0xFFFFFFC0, v60  }
0x78: {  	v3 =	vor.u32 v3, v4  }
0x79: {  	v4 =	vperm.xlane v3, v0;
	_ =	sdelay $0x1  }
0x7a: {  	v4 =	vadd.s32 v1, v4;
	_ =	sdelay $0x4  }
0x7b: {  	[tilespmem:s25], [sflag:$0x1] =	stream.indirect_vreg.gather [hbm4b:s3+s2], $0x80, v4, vm0, $0xb8;
	[tilespmem:$0x10200] =	vst v63  }
0x7c: {  	v3 =	vperm.xlane v3, v2  }
0x7d: {  	[tilespmem:s23], [sflag:$0x1] =	stream.indirect_vreg.gather [hbm4b:s4+s2], $0x80, v4, vm0, $0xb8;
	[tilespmem:$0x10200] =	vst v63  }
0x7e: {  	v3 =	vadd.s32 v1, v3  }
0x7f: {  	[tilespmem:s24], [sflag:$0x1] =	stream.indirect_vreg.gather [hbm4b:s5+s2], $0x80, v4, vm0, $0xb8;
	[tilespmem:$0x10200] =	vst v63  }
0x80: {  	_ = 	snop  }
0x81: {  	[tilespmem:s26], [sflag:$0x1] =	stream.indirect_vreg.gather [hbm4b:s6+s2], $0x80, v4, vm0, $0xb8;
	[tilespmem:$0x10200] =	vst v63  }
0x82: {  	_ = 	snop  }
0x83: {  	[tilespmem:s28], [sflag:$0x1] =	stream.indirect_vreg.gather [hbm4b:s3+s2], $0x80, v3, vm0, $0xb8;
	[tilespmem:$0x10200] =	vst v63  }
0x84: {  	_ = 	snop  }
0x85: {  	[tilespmem:s29], [sflag:$0x1] =	stream.indirect_vreg.gather [hbm4b:s4+s2], $0x80, v3, vm0, $0xb8;
	[tilespmem:$0x10200] =	vst v63  }
0x86: {  	_ = 	snop  }
0x87: {  	[tilespmem:s30], [sflag:$0x1] =	stream.indirect_vreg.gather [hbm4b:s5+s2], $0x80, v3, vm0, $0xb8;
	[tilespmem:$0x10200] =	vst v63  }
0x88: {  	_ = 	snop  }
0x89: {  	[tilespmem:s31], [sflag:$0x1] =	stream.indirect_vreg.gather [hbm4b:s6+s2], $0x80, v3, vm0, $0xb8;
	[tilespmem:$0x10200] =	vst v63  }
0x8a: {  	v3 =	vld [tilespmem:$0x110];
	_ =	sdelay $0x4  }
0x8b: {  	v61 =	vshll.u32 v3, $0x3  }
0x8c: {  	v3 =	vand.u32 $0x7, v3;
	v4 =	vand.u32 $0xFFFFFFC0, v61  }
0x8d: {  	v3 =	vor.u32 v3, v4  }
0x8e: {  	v4 =	vperm.xlane v3, v0;
	_ =	sdelay $0x1  }
0x8f: {  	v4 =	vadd.s32 v1, v4;
	_ =	sdelay $0x4  }
0x90: {  	[tilespmem:s0], [sflag:$0x1] =	stream.indirect_vreg.gather [hbm4b:s3+s2], $0x80, v4, vm0, $0xb8;
	[tilespmem:$0x10200] =	vst v63  }
0x91: {  	v3 =	vperm.xlane v3, v2  }
0x92: {  	[tilespmem:s1], [sflag:$0x1] =	stream.indirect_vreg.gather [hbm4b:s4+s2], $0x80, v4, vm0, $0xb8;
	[tilespmem:$0x10200] =	vst v63  }
0x93: {  	v3 =	vadd.s32 v1, v3  }
0x94: {  	[tilespmem:s10], [sflag:$0x1] =	stream.indirect_vreg.gather [hbm4b:s5+s2], $0x80, v4, vm0, $0xb8;
	[tilespmem:$0x10200] =	vst v63  }
0x95: {  	_ = 	snop  }
0x96: {  	[tilespmem:s11], [sflag:$0x1] =	stream.indirect_vreg.gather [hbm4b:s6+s2], $0x80, v4, vm0, $0xb8;
	[tilespmem:$0x10200] =	vst v63  }
0x97: {  	_ = 	snop  }
0x98: {  	[tilespmem:s12], [sflag:$0x1] =	stream.indirect_vreg.gather [hbm4b:s3+s2], $0x80, v3, vm0, $0xb8;
	[tilespmem:$0x10200] =	vst v63  }
0x99: {  	_ = 	snop  }
0x9a: {  	[tilespmem:s13], [sflag:$0x1] =	stream.indirect_vreg.gather [hbm4b:s4+s2], $0x80, v3, vm0, $0xb8;
	[tilespmem:$0x10200] =	vst v63  }
0x9b: {  	_ = 	snop  }
0x9c: {  	[tilespmem:s14], [sflag:$0x1] =	stream.indirect_vreg.gather [hbm4b:s5+s2], $0x80, v3, vm0, $0xb8;
	[tilespmem:$0x10200] =	vst v63  }
0x9d: {  	_ = 	snop  }
0x9e: {  	[tilespmem:s15], [sflag:$0x1] =	stream.indirect_vreg.gather [hbm4b:s6+s2], $0x80, v3, vm0, $0xb8;
	[tilespmem:$0x10200] =	vst v63  }
0x9f: {  	_ =	swait.ge [sflag:s20], $0x8000  }
0xa0: {  	[sflag:s20] =	ssyncset.done $0x0  }
0xa1: {  	s0 =	rddreg [dreg:$0x4];
	[sflag:s20] =	ssyncadd.s32 $0xFFFF8000  }
0xa2: {  	[hbm4b:s0+s2] =	stream.linear.scatter [tilespmem:s18], [sflag:$0x4], $0x8000, $0x38;
	[tilespmem:$0x10200] =	vst v63  }
0xa3: {  	_ =	swait.ge [sflag:s21], $0x8000  }
0xa4: {  	[sflag:s21] =	ssyncset.done $0x0  }
0xa5: {  	[sflag:s21] =	ssyncadd.s32 $0xFFFF8000  }
0xa6: {  	v3 =	vld [tilespmem:$0x180];
	_ =	sdelay $0x4  }
0xa7: {  	v62 =	vshll.u32 v3, $0x3  }
0xa8: {  	v3 =	vand.u32 $0x7, v3;
	v4 =	vand.u32 $0xFFFFFFC0, v62  }
0xa9: {  	v3 =	vor.u32 v3, v4  }
0xaa: {  	v4 =	vperm.xlane v3, v0;
	_ =	sdelay $0x1  }
0xab: {  	v4 =	vadd.s32 v1, v4;
	_ =	sdelay $0x4  }
0xac: {  	[tilespmem:s18], [sflag:$0x2] =	stream.indirect_vreg.gather [hbm4b:s3+s2], $0x80, v4, vm0, $0xb8;
	[tilespmem:$0x10200] =	vst v63  }
0xad: {  	v3 =	vperm.xlane v3, v2  }
0xae: {  	[tilespmem:s16], [sflag:$0x2] =	stream.indirect_vreg.gather [hbm4b:s4+s2], $0x80, v4, vm0, $0xb8;
	[tilespmem:$0x10200] =	vst v63  }
0xaf: {  	v3 =	vadd.s32 v1, v3  }
0xb0: {  	[tilespmem:s17], [sflag:$0x2] =	stream.indirect_vreg.gather [hbm4b:s5+s2], $0x80, v4, vm0, $0xb8;
	[tilespmem:$0x10200] =	vst v63  }
0xb1: {  	s22 =	simm.s32 $0x9A00  }
0xb2: {  	[tilespmem:s22], [sflag:$0x2] =	stream.indirect_vreg.gather [hbm4b:s6+s2], $0x80, v4, vm0, $0xb8;
	[tilespmem:$0x10200] =	vst v63  }
0xb3: {  	_ = 	snop  }
0xb4: {  	[tilespmem:s9], [sflag:$0x2] =	stream.indirect_vreg.gather [hbm4b:s3+s2], $0x80, v3, vm0, $0xb8;
	[tilespmem:$0x10200] =	vst v63  }
0xb5: {  	s22 =	simm.s32 $0xAA00  }
0xb6: {  	[tilespmem:s22], [sflag:$0x2] =	stream.indirect_vreg.gather [hbm4b:s4+s2], $0x80, v3, vm0, $0xb8;
	[tilespmem:$0x10200] =	vst v63  }
0xb7: {  	s9 =	simm.s32 $0xB200  }
0xb8: {  	[tilespmem:s9], [sflag:$0x2] =	stream.indirect_vreg.gather [hbm4b:s5+s2], $0x80, v3, vm0, $0xb8;
	[tilespmem:$0x10200] =	vst v63  }
0xb9: {  	s22 =	simm.s32 $0xBA00  }
0xba: {  	[tilespmem:s22], [sflag:$0x2] =	stream.indirect_vreg.gather [hbm4b:s6+s2], $0x80, v3, vm0, $0xb8;
	[tilespmem:$0x10200] =	vst v63  }
0xbb: {  	v3 =	vld [tilespmem:$0x190];
	_ =	sdelay $0x4  }
0xbc: {  	v63 =	vshll.u32 v3, $0x3  }
0xbd: {  	v3 =	vand.u32 $0x7, v3;
	v4 =	vand.u32 $0xFFFFFFC0, v63  }
0xbe: {  	v3 =	vor.u32 v3, v4  }
0xbf: {  	v4 =	vperm.xlane v3, v0;
	_ =	sdelay $0x1  }
0xc0: {  	v4 =	vadd.s32 v1, v4;
	_ =	sdelay $0x3  }
0xc1: {  	s9 =	simm.s32 $0xC200  }
0xc2: {  	[tilespmem:s9], [sflag:$0x2] =	stream.indirect_vreg.gather [hbm4b:s3+s2], $0x80, v4, vm0, $0xb8;
	[tilespmem:$0x10200] =	vst v63  }
0xc3: {  	s22 =	simm.s32 $0xCA00;
	v3 =	vperm.xlane v3, v2  }
0xc4: {  	[tilespmem:s22], [sflag:$0x2] =	stream.indirect_vreg.gather [hbm4b:s4+s2], $0x80, v4, vm0, $0xb8;
	[tilespmem:$0x10200] =	vst v63  }
0xc5: {  	v3 =	vadd.s32 v1, v3;
	s9 =	simm.s32 $0xD200  }
0xc6: {  	[tilespmem:s9], [sflag:$0x2] =	stream.indirect_vreg.gather [hbm4b:s5+s2], $0x80, v4, vm0, $0xb8;
	[tilespmem:$0x10200] =	vst v63  }
0xc7: {  	s22 =	simm.s32 $0xDA00  }
0xc8: {  	[tilespmem:s22], [sflag:$0x2] =	stream.indirect_vreg.gather [hbm4b:s6+s2], $0x80, v4, vm0, $0xb8;
	[tilespmem:$0x10200] =	vst v63  }
0xc9: {  	s9 =	simm.s32 $0xE200  }
0xca: {  	[tilespmem:s9], [sflag:$0x2] =	stream.indirect_vreg.gather [hbm4b:s3+s2], $0x80, v3, vm0, $0xb8;
	[tilespmem:$0x10200] =	vst v63  }
0xcb: {  	s22 =	simm.s32 $0xEA00  }
0xcc: {  	[tilespmem:s22], [sflag:$0x2] =	stream.indirect_vreg.gather [hbm4b:s4+s2], $0x80, v3, vm0, $0xb8;
	[tilespmem:$0x10200] =	vst v63  }
0xcd: {  	s9 =	simm.s32 $0xF200  }
0xce: {  	[tilespmem:s9], [sflag:$0x2] =	stream.indirect_vreg.gather [hbm4b:s5+s2], $0x80, v3, vm0, $0xb8;
	[tilespmem:$0x10200] =	vst v63  }
0xcf: {  	s22 =	simm.s32 $0xFA00  }
0xd0: {  	[tilespmem:s22], [sflag:$0x2] =	stream.indirect_vreg.gather [hbm4b:s6+s2], $0x80, v3, vm0, $0xb8;
	[tilespmem:$0x10200] =	vst v63  }
0xd1: {  	_ =	swait.ge [sflag:s8], $0x8000  }
0xd2: {  	[sflag:s8] =	ssyncset.done $0x0  }
0xd3: {  	s0 =	rddreg [dreg:$0x5];
	[sflag:s8] =	ssyncadd.s32 $0xFFFF8000  }
0xd4: {  	[hbm4b:s0+s2] =	stream.linear.scatter [tilespmem:s25], [sflag:$0x3], $0x8000, $0x38;
	[tilespmem:$0x10200] =	vst v63  }
0xd5: {  	_ =	swait.ge [sflag:s20], $0x8000  }
0xd6: {  	[sflag:s20] =	ssyncset.done $0x0  }
0xd7: {  	s9 =	rddreg [dreg:$0x6];
	[sflag:s20] =	ssyncadd.s32 $0xFFFF8000  }
0xd8: {  	[hbm4b:s9+s2] =	stream.linear.scatter [tilespmem:s18], [sflag:$0x4], $0x8000, $0x38;
	[tilespmem:$0x10200] =	vst v63  }
0xd9: {  	p0 =	sne.s32 s7, $0x1;
	_ =	swait.ge [sflag:s19], $0x8000  }
.Ltmp0:
0xda: {  	[sflag:s19] =	ssyncset.done $0x0;
	(pc) =	sbr.rel @p0 .LBB2_1-.Ltmp0, $4  }
0xdb: {  	[sflag:s19] =	ssyncadd.s32 $0xFFFF8000  }
0xdc: {  	_ =	swait.ge [sflag:s21], $0x8000  }
0xdd: {  	[sflag:s21] =	ssyncset.done $0x0  }
0xde: {  	s7 =	sadd.s32 $0xFFFFFFFF, s7;
	[sflag:s21] =	ssyncadd.s32 $0xFFFF8000  }
0xdf: {  	_ =	sfence.sel $0x180000  }
0xe0: {  	[bflag:$0x0] =	sbarrier.arrive $0xFFFF  }
0xe1: {  	_ =	strace $0x9000004A  }
0xe2: {  	s0 =	stileid.u32;
	[bflag:$0x2] =	sbarrier.arrive $0xFFFF  }
0xe3: {  	p0 =	sne.s32 s0, $0x0;
	s0 =	rddreg [dreg:$0x1]  }
0xe4: {  	s0 =	sadd.s32 @!p0 $0x100000, s0  }
0xe5: {  	[sflag:s0] =	ssyncadd.tile.s32 @!p0 $0x1;
	_ =	shalt  }
.Lfunc_end2:
_tile_overlayer_lowered:
.L_overlay_start_2:
0xe6: {  	(tag) =	ssettag $0x2  }
0xe7: {  	s0 =	rddreg [dreg:$0x0];
	s2 =	stileid.u32  }
0xe8: {  	s1 =	rddreg [dreg:$0x1];
	p0 =	sne.s32 s2, $0x0  }
0xe9: {  	s3 =	rddreg [dreg:$0x2];
	[bflag:$0x3] =	sbarrier.arrive $0xFFFF;
	s2 =	simm.s32 @!p0 $0x1C05  }
0xea: {  	[timem:s3], [sflag:s2] =	dma.local @!p0 [hbm:s0], s1  }
0xeb: {  	s0 =	simm.s32 @!p0 $0x5  }
0xec: {  	_ =	swait.ge @!p0 [sflag:s0], s1  }
0xed: {  	s1 =	ssub.s32 @!p0 $0x0, s1;
	[sflag:s0] =	ssyncset.done @!p0 $0x0  }
0xee: {  	[sflag:s0] =	ssyncadd.s32 @!p0 s1  }
0xef: {  	[bflag:$0x3] =	sbarrier.arrive $0xFFFF  }
0xf0: {  	_ =	shalt  }

// kernel: kernel.9.cloned.1.call-start
scs
__scs_entry_jumppad:
0x0: {  	(pc) =	sbr.rel $0x88, $3  }
0x1: {  	(tag) =	ssettag $0x0;
	lr =	simm.s32 $0x1  }
0x2: {  	[smem:$0x3F98] =	sst lr;
	_ =	strace $0xD0000000  }
0x3: {  	_ = 	snop  }
0x4: {  	_ = 	snop  }
0x5: {  	_ = 	snop  }
0x6: {  	_ = 	snop  }
0x7: {  	_ = 	snop  }
__scs_overlays_trampoline_lowered:
0x8: {  	[smem:$0x3FA7] =	sst s0  }
0x9: {  	[smem:$0x3FA8] =	sst s1  }
0xa: {  	[smem:$0x3FA9] =	sst s2  }
0xb: {  	[smem:$0x3FAA] =	sst s3  }
0xc: {  	[smem:$0x3FAB] =	sst s4  }
0xd: {  	[smem:$0x3FAC] =	sst s5  }
0xe: {  	[smem:$0x3FAD] =	sst s6  }
0xf: {  	[smem:$0x3FAE] =	sst s7  }
0x10: {  	[smem:$0x3FAF] =	sst s8  }
0x11: {  	[smem:$0x3FB0] =	sst s9;
	s0 =	simm.s32 @!p0 $0x0  }
0x12: {  	s1 =	sld [smem:$0x3F96];
	s0 =	simm.s32 @p0 $0x1  }
0x13: {  	[smem:$0x3FB1] =	sst s0;
	s0 =	simm.s32 @!p1 $0x0  }
0x14: {  	s2 =	sld [smem:$0x3F95];
	s0 =	simm.s32 @p1 $0x1  }
0x15: {  	[smem:$0x3FB2] =	sst s0;
	s0 =	simm.s32 @!p2 $0x0  }
0x16: {  	s3 =	sld [smem:$0x3FDB];
	s0 =	simm.s32 @p2 $0x1  }
0x17: {  	s4 =	simm.s32 $0x1BF5;
	[smem:$0x3FB4] =	sst s0  }
0x18: {  	s0 =	sld [smem:$0x3F97];
	_ =	swait.ge [sflag:s4], $0x0  }
0x19: {  	s7 =	sld [smem:$0x3F98]  }
0x1a: {  	s8 =	sadd.s32 $0xFFFFE003, lr  }
0x1b: {  	s9 =	sadd.s32 $0xFFFFFEF7, lr;
	s5 =	simm.s32 $0xFFFFFFFF;
	p2 =	slt.u32 s8, $0xFFFFF086  }
0x1c: {  	p1 =	slt.u32 s9, $0xF7A;
	s5 =	simm.s32 @!p2 $0x0  }
0x1d: {  	s5 =	simm.s32 @p1 $0x1;
	p0 =	seq.s32 s7, s2  }
0x1e: {  	s7 =	smul.u32 @!p0 $0xF7A, s2;
	p2 =	seq.s32 @!p0 s5, $0x0  }
0x1f: {  	s9 =	smul.u32 $0xF7A, s1;
	s8 =	simm.s32 @!p0 $0x1BF5;
	p2 =	por !p2, p0  }
0x20: {  	[sflag:s8] =	ssyncset.s32 @!p0 $0xFFFFF086;
	s6 =	sadd.s32 @!p0 s3, s7;
	s7 =	simm.s32 @!p0 $0x108  }
0x21: {  	s3 =	sadd.s32 s3, s9;
	s6 =	sadd.s32 @!p0 $0x88, s6;
	s7 =	simm.s32 @p2 $0x1082  }
0x22: {  	[simem:s7], [sflag:s8] =	dma.local @!p0 [hbm:s6], $0xF7A  }
0x23: {  	s9 =	sor.u32 $0xD0000000, s2;
	s6 =	simm.s32 $0x108;
	_ =	swait.ge @!p0 [sflag:s8], $0x0  }
0x24: {  	s3 =	sadd.s32 $0x88, s3;
	s6 =	simm.s32 @!p1 $0x1082;
	[sflag:s4] =	ssyncset.s32 $0xFFFFF086  }
0x25: {  	[simem:s6], [sflag:s4] =	dma.local [hbm:s3], $0xF7A  }
0x26: {  	[smem:$0x3F98] =	sst s1;
	(tag) =	ssettag s2;
	_ =	strace s9  }
0x27: {  	s1 =	sld [smem:$0x3FA8]  }
0x28: {  	s2 =	sld [smem:$0x3FA9]  }
0x29: {  	s4 =	sld [smem:$0x3FAB]  }
0x2a: {  	p0 =	seq.s32 s5, $0x0;
	s5 =	sld [smem:$0x3FAC]  }
0x2b: {  	s6 =	sld [smem:$0x3FAD]  }
0x2c: {  	s7 =	sld [smem:$0x3FAE]  }
0x2d: {  	s3 =	simm.s32 $0x108;
	s8 =	sld [smem:$0x3FAF]  }
0x2e: {  	s3 =	simm.s32 @!p0 $0x1082;
	s9 =	sld [smem:$0x3FB0]  }
0x2f: {  	lr =	sadd.s32 s0, s3;
	s0 =	sld [smem:$0x3FA7]  }
0x30: {  	s3 =	sld [smem:$0x3FAA]  }
0x31: {  	[smem:$0x3FB3] =	sst s10  }
0x32: {  	s10 =	sld [smem:$0x3FB1];
	_ =	sdelay $0x3  }
0x33: {  	p0 =	seq.s32 s10, $0x1;
	s10 =	sld [smem:$0x3FB3];
	_ =	sdelay $0x3  }
0x34: {  	[smem:$0x3FB3] =	sst s10  }
0x35: {  	s10 =	sld [smem:$0x3FB2];
	_ =	sdelay $0x3  }
0x36: {  	p1 =	seq.s32 s10, $0x1;
	s10 =	sld [smem:$0x3FB3];
	_ =	sdelay $0x3  }
0x37: {  	[smem:$0x3FB3] =	sst s10  }
0x38: {  	s10 =	sld [smem:$0x3FB4]  }
0x39: {  	_ = 	snop;
	(pc) =	sbr.ind lr, $3  }
0x3a: {  	_ = 	snop  }
0x3b: {  	_ = 	snop  }
0x3c: {  	p2 =	seq.s32 s10, $0x1;
	s10 =	sld [smem:$0x3FB3]  }
0x3d: {  	_ =	shalt  }
0x3e: {  	_ =	shalt  }
0x3f: {  	_ =	shalt  }
0x40: {  	_ =	shalt  }
0x41: {  	_ =	shalt  }
0x42: {  	_ =	shalt  }
0x43: {  	_ =	shalt  }
0x44: {  	_ =	shalt  }
0x45: {  	_ =	shalt  }
0x46: {  	_ =	shalt  }
0x47: {  	_ =	shalt  }
0x48: {  	_ =	shalt  }
0x49: {  	_ =	shalt  }
0x4a: {  	_ =	shalt  }
0x4b: {  	_ =	shalt  }
0x4c: {  	_ =	shalt  }
0x4d: {  	_ =	shalt  }
0x4e: {  	_ =	shalt  }
0x4f: {  	_ =	shalt  }
0x50: {  	_ =	shalt  }
0x51: {  	_ =	shalt  }
0x52: {  	_ =	shalt  }
0x53: {  	_ =	shalt  }
0x54: {  	_ =	shalt  }
0x55: {  	_ =	shalt  }
0x56: {  	_ =	shalt  }
0x57: {  	_ =	shalt  }
0x58: {  	_ =	shalt  }
0x59: {  	_ =	shalt  }
0x5a: {  	_ =	shalt  }
0x5b: {  	_ =	shalt  }
0x5c: {  	_ =	shalt  }
0x5d: {  	_ =	shalt  }
0x5e: {  	_ =	shalt  }
0x5f: {  	_ =	shalt  }
0x60: {  	_ =	shalt  }
0x61: {  	_ =	shalt  }
0x62: {  	_ =	shalt  }
0x63: {  	_ =	shalt  }
0x64: {  	_ =	shalt  }
0x65: {  	_ =	shalt  }
0x66: {  	_ =	shalt  }
0x67: {  	_ =	shalt  }
0x68: {  	_ =	shalt  }
0x69: {  	_ =	shalt  }
0x6a: {  	_ =	shalt  }
0x6b: {  	_ =	shalt  }
0x6c: {  	_ =	shalt  }
0x6d: {  	_ =	shalt  }
0x6e: {  	_ =	shalt  }
0x6f: {  	_ =	shalt  }
0x70: {  	_ =	shalt  }
0x71: {  	_ =	shalt  }
0x72: {  	_ =	shalt  }
0x73: {  	_ =	shalt  }
0x74: {  	_ =	shalt  }
0x75: {  	_ =	shalt  }
0x76: {  	_ =	shalt  }
0x77: {  	_ =	shalt  }
0x78: {  	_ =	shalt  }
0x79: {  	_ =	shalt  }
0x7a: {  	_ =	shalt  }
0x7b: {  	_ =	shalt  }
0x7c: {  	_ =	shalt  }
0x7d: {  	_ =	shalt  }
0x7e: {  	_ =	shalt  }
0x7f: {  	_ =	shalt  }
0x80: {  	_ =	shalt  }
0x81: {  	_ =	shalt  }
0x82: {  	_ =	shalt  }
0x83: {  	_ =	shalt  }
0x84: {  	_ =	shalt  }
0x85: {  	_ =	shalt  }
0x86: {  	_ =	shalt  }
0x87: {  	_ =	shalt  }
.Lfunc_end0:
.L_simem_size_0:
called_computation_lowered:
.L_overlay_start_0:
0x88: {  	s2 =	sld [smem:$0x3FD9]  }
0x89: {  	s3 =	sld [smem:$0x3FFE];
	_ =	sdelay $0x1  }
0x8a: {  	s1 =	srdreg.scid  }
0x8b: {  	s0 =	sand.u32 $0x1, s1  }
0x8c: {  	s17 =	sshll.u32 s0, $0xA;
	s2 =	sadd.s32 s3, s2  }
0x8d: {  	s2 =	sadd.s32 s2, s17  }
0x8e: {  	[smem:$0x3FBF] =	sst s2  }
0x8f: {  	_ = 	snop  }
0x90: {  	s2 =	sld [smem:$0x3FC9];
	(tm) =	ssettm $0x1  }
0x91: {  	s18 =	sld [smem:$0x3FFB];
	_ =	sdelay $0x3  }
0x92: {  	_ =	strace s18  }
0x93: {  	s3 =	sld [smem:$0x3FFC];
	_ =	sdelay $0x3  }
0x94: {  	_ =	strace s3  }
0x95: {  	s3 =	sld [smem:$0x3FFD];
	_ =	sdelay $0x3  }
0x96: {  	_ =	strace s3  }
0x97: {  	_ =	strace $0x8FFFFFFF  }
0x98: {  	s19 =	sld [smem:$0x3FDB];
	_ =	sdelay $0x1  }
0x99: {  	s4 =	simm.s32 $_scs_section_size  }
0x9a: {  	s5 =	simm.s32 $_size__tile_overlayer_lowered;
	s6 =	simm.s32 $_tile_overlayer_lowered  }
0x9b: {  	s22 =	simm.s32 $0x1BFF;
	s21 =	sshll.u32 s6, $0x1;
	s3 =	sadd.s32 s4, s19  }
0x9c: {  	s7 =	simm.s32 $0x0;
	s20 =	sshll.u32 s5, $0x1;
	s5 =	sadd.s32 s21, s3  }
0x9d: {  	[timem:s7], [sflag:s22] =	dma.local [hbm:s5], s20  }
0x9e: {  	_ =	swait.ge [sflag:s22], s20  }
0x9f: {  	s4 =	ssub.s32 $0x0, s20;
	[sflag:s22] =	ssyncset.done $0x0  }
0xa0: {  	[sflag:s22] =	ssyncadd.s32 s4;
	_ =	sdelay $0x1  }
0xa1: {  	s23 =	simm.s32 $0x1B8B  }
0xa2: {  	_ =	swait.ge [sflag:s23], $0x1  }
0xa3: {  	[sflag:s23] =	ssyncset.done $0x0  }
0xa4: {  	s25 =	simm.s32 $0x1B8E;
	s24 =	sld [smem:$0x3FFE];
	[sflag:s23] =	ssyncadd.s32 $0xFFFFFFFF  }
0xa5: {  	s26 =	simm.s32 $execute0_lowered;
	[smem:$0x3FD2] =	sst s25  }
0xa6: {  	s5 =	sshll.u32 s26, $0x1;
	_ =	strace $0x80000046;
	[dreg:$0x1] =	wrdreg $0xFFFFFFFF  }
0xa7: {  	s28 =	simm.s32 $_size_execute0_lowered;
	s3 =	sadd.s32 s3, s5;
	[dreg:$0x0] =	wrdreg $0x0  }
0xa8: {  	s5 =	sshll.u32 s28, $0x1;
	[dreg:$0x2] =	wrdreg s3  }
0xa9: {  	[dreg:$0x3] =	wrdreg s5  }
0xaa: {  	[dreg:$0x4] =	wrdreg $0xC0  }
0xab: {  	_ =	task [dreg:s7], $0x5FFFF  }
0xac: {  	[dreg:$0x1] =	wrdreg $0xFFFFFFFF  }
0xad: {  	[dreg:$0x0] =	wrdreg $0x60  }
0xae: {  	[dreg:$0x2] =	wrdreg s2  }
0xaf: {  	[dreg:$0x3] =	wrdreg s24  }
0xb0: {  	[dreg:$0x4] =	wrdreg $0x9  }
0xb1: {  	_ =	task.clear_ibuf [dreg:s7], $0x5FFFF;
	_ =	strace $0x90000046  }
0xb2: {  	s29 =	simm.s32 $0x9;
	_ =	strace $0x80000048  }
0xb3: {  	_ =	swait.ge [sflag:s29], $0x1  }
0xb4: {  	[sflag:s29] =	ssyncadd.s32 $0xFFFFFFFF  }
0xb5: {  	_ =	strace $0x90000048  }
0xb6: {  	_ =	sfence  }
0xb7: {  	s30 =	sld [smem:$0x0];
	_ =	sdelay $0x2  }
0xb8: {  	s31 =	sshll.u32 s1, $0xD;
	s1 =	sshrl.u32 s1, $0x2  }
0xb9: {  	s3 =	sand.u32 $0x4000, s31;
	s1 =	sadd.s32 s1, s30  }
0xba: {  	s0 =	sor.u32 s3, s0;
	s1 =	sshll.u32 s1, $0x11  }
0xbb: {  	s0 =	sor.u32 s1, s0  }
0xbc: {  	s0 =	sadd.s32 $0x8F2B, s0  }
0xbd: {  	[sflag:s0] =	ssyncadd.remote.s32 $0x1  }
0xbe: {  	_ =	sfence.sel $0xFFFF  }
0xbf: {  	[dreg:$0x0] =	wrdreg $0xFFFFFFFF;
	(pc) =	sbr.abs _section_cstart, $3  }
0xc0: {  	[dreg:$0x1] =	wrdreg $0xFFFFFFFF  }
0xc1: {  	_ =	task.clear_ibuf [dreg:s7], $0x2FFFF;
	_ =	strace $0x9FFFFFFF  }
0xc2: {  	(tm) =	ssettm $0x7FFFFFFF  }
0xc3: {  	_ =	shalt  }
tec
execute0_lowered:
.L_overlay_start_1:
0x0: {  	(tag) =	ssettag $0x1  }
0x1: {  	s0 =	rddreg [dreg:$0x0]  }
0x2: {  	s1 =	rddreg [dreg:$0x1]  }
0x3: {  	s3 =	srdreg.scid;
	s5 =	stileid.u32  }
0x4: {  	s2 =	simm.s32 $0x0;
	s9 =	simm.s32 $0x3;
	s20 =	simm.s32 $0x2  }
0x5: {  	s28 =	simm.s32 $0x2A00;
	s29 =	simm.s32 $0x3200;
	s30 =	simm.s32 $0x3A00  }
0x6: {  	s31 =	simm.s32 $0x4200;
	s10 =	simm.s32 $0x4A00;
	s11 =	simm.s32 $0x5A00  }
0x7: {  	s12 =	simm.s32 $0x6200;
	s13 =	simm.s32 $0x6A00;
	s14 =	simm.s32 $0x7200  }
0x8: {  	s15 =	simm.s32 $0x7A00;
	s16 =	simm.s32 $0x8A00;
	s17 =	simm.s32 $0x9200  }
0x9: {  	s18 =	simm.s32 $0x9A00;
	s19 =	simm.s32 $0xA200;
	s4 =	sand.u32 $0x1, s3  }
0xa: {  	s21 =	sshll.u32 s5, $0x1;
	[smem:$0x7FF] =	sst s2;
	s7 =	sadd.s32 $0xD00, s1  }
0xb: {  	s3 =	sor.u32 s4, s21;
	_ =	strace $0x80000047;
	s4 =	ssub.s32 $0x2, s4  }
0xc: {  	s22 =	sshll.u32 s3, $0x6;
	s6 =	sshll.u32 s3, $0xE;
	s3 =	sadd.s32 $0xA00, s1  }
0xd: {  	s23 =	sshrl.u32 s4, $0x1;
	s5 =	sadd.s32 s22, s1;
	s6 =	sand.u32 $0x3C000, s6  }
0xe: {  	s22 =	simm.s32 $0xA00;
	s5 =	sadd.s32 $0x200, s5;
	s6 =	sadd.s32 s0, s6  }
0xf: {  	s0 =	ssub.s32 s4, s23;
	s4 =	simm.s32 $0x1;
	[dreg:$0x3] =	wrdreg s5  }
0x10: {  	s23 =	simm.s32 $0x1200;
	s24 =	sadd.s32 $0x1000, s6;
	[dreg:$0x7] =	wrdreg s6  }
0x11: {  	s25 =	sadd.s32 $0x2000, s6;
	s5 =	sadd.s32 $0xB00, s1;
	[dreg:$0x4] =	wrdreg s24  }
0x12: {  	v2 =	vlaneseq.u32;
	s26 =	sadd.s32 $0x3000, s6;
	s6 =	sadd.s32 $0xC00, s1;
	[dreg:$0x5] =	wrdreg s25  }
0x13: {  	vm0 =	vmmov $0xffff;
	v1 =	vshrl.u32 v2, $0x3;
	s8 =	smax.u32 s0, $0x1;
	s1 =	simm.s32 $0x5200;
	[dreg:$0x6] =	wrdreg s26  }
0x14: {  	v0 =	vand.u32 $0x7, v2;
	v2 =	vor.u32 $0x8, v2;
	v1 =	vmul.u32 $0x8, v1;
	s26 =	simm.s32 $0x200;
	s24 =	simm.s32 $0x1A00;
	s25 =	simm.s32 $0x2200  }
.LBB2_1:
0x15: {  	s21 =	rddreg [dreg:$0x3]  }
0x16: {  	[tilespmem:s2], [sflag:$0x3] =	stream.linear.gather [hbm4b:s21+s2], $0x200, $0x38;
	[tilespmem:$0x10200] =	vst v63  }
0x17: {  	_ =	swait.ge [sflag:s9], $0x200  }
0x18: {  	[sflag:s9] =	ssyncset.done $0x0  }
0x19: {  	s0 =	rddreg [dreg:$0x7];
	[sflag:s9] =	ssyncadd.s32 $0xFFFFFE00  }
0x1a: {  	[tilespmem:s26], [sflag:$0x3] =	stream.linear.gather [hbm4b:s0+s2], $0x8000, $0x38;
	[tilespmem:$0x10200] =	vst v63  }
0x1b: {  	_ =	swait.ge [sflag:s9], $0x8000  }
0x1c: {  	[sflag:s9] =	ssyncset.done $0x0  }
0x1d: {  	[sflag:s9] =	ssyncadd.s32 $0xFFFF8000  }
0x1e: {  	v3 =	vld [tilespmem:$0x0];
	_ =	sdelay $0x4  }
0x1f: {  	v4 =	vshll.u32 v3, $0x3  }
0x20: {  	v3 =	vand.u32 $0x7, v3;
	v4 =	vand.u32 $0xFFFFFFC0, v4  }
0x21: {  	v3 =	vor.u32 v3, v4  }
0x22: {  	v4 =	vperm.xlane v3, v0;
	_ =	sdelay $0x1  }
0x23: {  	v4 =	vadd.s32 v1, v4;
	_ =	sdelay $0x4  }
0x24: {  	[hbm4b:s3+s2] =	stream.indirect_vreg.scatter [tilespmem:s26], [sflag:$0x1], $0x80, v4, vm0, $0xb8;
	[tilespmem:$0x10200] =	vst v63  }
0x25: {  	v3 =	vperm.xlane v3, v2  }
0x26: {  	[hbm4b:s5+s2] =	stream.indirect_vreg.scatter [tilespmem:s22], [sflag:$0x1], $0x80, v4, vm0, $0xb8;
	[tilespmem:$0x10200] =	vst v63  }
0x27: {  	v3 =	vadd.s32 v1, v3  }
0x28: {  	[hbm4b:s6+s2] =	stream.indirect_vreg.scatter [tilespmem:s23], [sflag:$0x1], $0x80, v4, vm0, $0xb8;
	[tilespmem:$0x10200] =	vst v63  }
0x29: {  	_ = 	snop  }
0x2a: {  	[hbm4b:s7+s2] =	stream.indirect_vreg.scatter [tilespmem:s24], [sflag:$0x1], $0x80, v4, vm0, $0xb8;
	[tilespmem:$0x10200] =	vst v63  }
0x2b: {  	_ = 	snop  }
0x2c: {  	[hbm4b:s3+s2] =	stream.indirect_vreg.scatter [tilespmem:s25], [sflag:$0x1], $0x80, v3, vm0, $0xb8;
	[tilespmem:$0x10200] =	vst v63  }
0x2d: {  	_ = 	snop  }
0x2e: {  	[hbm4b:s5+s2] =	stream.indirect_vreg.scatter [tilespmem:s28], [sflag:$0x1], $0x80, v3, vm0, $0xb8;
	[tilespmem:$0x10200] =	vst v63  }
0x2f: {  	_ = 	snop  }
0x30: {  	[hbm4b:s6+s2] =	stream.indirect_vreg.scatter [tilespmem:s29], [sflag:$0x1], $0x80, v3, vm0, $0xb8;
	[tilespmem:$0x10200] =	vst v63  }
0x31: {  	_ = 	snop  }
0x32: {  	[hbm4b:s7+s2] =	stream.indirect_vreg.scatter [tilespmem:s30], [sflag:$0x1], $0x80, v3, vm0, $0xb8;
	[tilespmem:$0x10200] =	vst v63  }
0x33: {  	v3 =	vld [tilespmem:$0x10];
	_ =	sdelay $0x4  }
0x34: {  	v57 =	vshll.u32 v3, $0x3  }
0x35: {  	v3 =	vand.u32 $0x7, v3;
	v4 =	vand.u32 $0xFFFFFFC0, v57  }
0x36: {  	v3 =	vor.u32 v3, v4  }
0x37: {  	v4 =	vperm.xlane v3, v0;
	_ =	sdelay $0x1  }
0x38: {  	v4 =	vadd.s32 v1, v4;
	_ =	sdelay $0x4  }
0x39: {  	[hbm4b:s3+s2] =	stream.indirect_vreg.scatter [tilespmem:s31], [sflag:$0x1], $0x80, v4, vm0, $0xb8;
	[tilespmem:$0x10200] =	vst v63  }
0x3a: {  	v3 =	vperm.xlane v3, v2  }
0x3b: {  	[hbm4b:s5+s2] =	stream.indirect_vreg.scatter [tilespmem:s10], [sflag:$0x1], $0x80, v4, vm0, $0xb8;
	[tilespmem:$0x10200] =	vst v63  }
0x3c: {  	v3 =	vadd.s32 v1, v3  }
0x3d: {  	[hbm4b:s6+s2] =	stream.indirect_vreg.scatter [tilespmem:s1], [sflag:$0x1], $0x80, v4, vm0, $0xb8;
	[tilespmem:$0x10200] =	vst v63  }
0x3e: {  	_ = 	snop  }
0x3f: {  	[hbm4b:s7+s2] =	stream.indirect_vreg.scatter [tilespmem:s11], [sflag:$0x1], $0x80, v4, vm0, $0xb8;
	[tilespmem:$0x10200] =	vst v63  }
0x40: {  	_ = 	snop  }
0x41: {  	[hbm4b:s3+s2] =	stream.indirect_vreg.scatter [tilespmem:s12], [sflag:$0x1], $0x80, v3, vm0, $0xb8;
	[tilespmem:$0x10200] =	vst v63  }
0x42: {  	_ = 	snop  }
0x43: {  	[hbm4b:s5+s2] =	stream.indirect_vreg.scatter [tilespmem:s13], [sflag:$0x1], $0x80, v3, vm0, $0xb8;
	[tilespmem:$0x10200] =	vst v63  }
0x44: {  	_ = 	snop  }
0x45: {  	[hbm4b:s6+s2] =	stream.indirect_vreg.scatter [tilespmem:s14], [sflag:$0x1], $0x80, v3, vm0, $0xb8;
	[tilespmem:$0x10200] =	vst v63  }
0x46: {  	_ = 	snop  }
0x47: {  	[hbm4b:s7+s2] =	stream.indirect_vreg.scatter [tilespmem:s15], [sflag:$0x1], $0x80, v3, vm0, $0xb8;
	[tilespmem:$0x10200] =	vst v63  }
0x48: {  	s0 =	simm.s32 $0x8200;
	s21 =	rddreg [dreg:$0x4]  }
0x49: {  	[tilespmem:s0], [sflag:$0x3] =	stream.linear.gather [hbm4b:s21+s2], $0x8000, $0x38;
	[tilespmem:$0x10200] =	vst v63  }
0x4a: {  	_ =	swait.ge [sflag:s9], $0x8000  }
0x4b: {  	[sflag:s9] =	ssyncset.done $0x0  }
0x4c: {  	[sflag:s9] =	ssyncadd.s32 $0xFFFF8000  }
0x4d: {  	v3 =	vld [tilespmem:$0x80];
	_ =	sdelay $0x4  }
0x4e: {  	v58 =	vshll.u32 v3, $0x3  }
0x4f: {  	v3 =	vand.u32 $0x7, v3;
	v4 =	vand.u32 $0xFFFFFFC0, v58  }
0x50: {  	v3 =	vor.u32 v3, v4  }
0x51: {  	v4 =	vperm.xlane v3, v0;
	_ =	sdelay $0x1  }
0x52: {  	v4 =	vadd.s32 v1, v4;
	_ =	sdelay $0x4  }
0x53: {  	[hbm4b:s3+s2] =	stream.indirect_vreg.scatter [tilespmem:s0], [sflag:$0x2], $0x80, v4, vm0, $0xb8;
	[tilespmem:$0x10200] =	vst v63  }
0x54: {  	v3 =	vperm.xlane v3, v2  }
0x55: {  	[hbm4b:s5+s2] =	stream.indirect_vreg.scatter [tilespmem:s16], [sflag:$0x2], $0x80, v4, vm0, $0xb8;
	[tilespmem:$0x10200] =	vst v63  }
0x56: {  	v3 =	vadd.s32 v1, v3  }
0x57: {  	[hbm4b:s6+s2] =	stream.indirect_vreg.scatter [tilespmem:s17], [sflag:$0x2], $0x80, v4, vm0, $0xb8;
	[tilespmem:$0x10200] =	vst v63  }
0x58: {  	_ = 	snop  }
0x59: {  	[hbm4b:s7+s2] =	stream.indirect_vreg.scatter [tilespmem:s18], [sflag:$0x2], $0x80, v4, vm0, $0xb8;
	[tilespmem:$0x10200] =	vst v63  }
0x5a: {  	_ = 	snop  }
0x5b: {  	[hbm4b:s3+s2] =	stream.indirect_vreg.scatter [tilespmem:s19], [sflag:$0x2], $0x80, v3, vm0, $0xb8;
	[tilespmem:$0x10200] =	vst v63  }
0x5c: {  	s21 =	simm.s32 $0xAA00  }
0x5d: {  	[hbm4b:s5+s2] =	stream.indirect_vreg.scatter [tilespmem:s21], [sflag:$0x2], $0x80, v3, vm0, $0xb8;
	[tilespmem:$0x10200] =	vst v63  }
0x5e: {  	s21 =	simm.s32 $0xB200  }
0x5f: {  	[hbm4b:s6+s2] =	stream.indirect_vreg.scatter [tilespmem:s21], [sflag:$0x2], $0x80, v3, vm0, $0xb8;
	[tilespmem:$0x10200] =	vst v63  }
0x60: {  	s21 =	simm.s32 $0xBA00  }
0x61: {  	[hbm4b:s7+s2] =	stream.indirect_vreg.scatter [tilespmem:s21], [sflag:$0x2], $0x80, v3, vm0, $0xb8;
	[tilespmem:$0x10200] =	vst v63  }
0x62: {  	v3 =	vld [tilespmem:$0x90];
	_ =	sdelay $0x4  }
0x63: {  	v59 =	vshll.u32 v3, $0x3  }
0x64: {  	v3 =	vand.u32 $0x7, v3;
	v4 =	vand.u32 $0xFFFFFFC0, v59  }
0x65: {  	v3 =	vor.u32 v3, v4  }
0x66: {  	v4 =	vperm.xlane v3, v0;
	_ =	sdelay $0x1  }
0x67: {  	v4 =	vadd.s32 v1, v4;
	_ =	sdelay $0x3  }
0x68: {  	s21 =	simm.s32 $0xC200  }
0x69: {  	[hbm4b:s3+s2] =	stream.indirect_vreg.scatter [tilespmem:s21], [sflag:$0x2], $0x80, v4, vm0, $0xb8;
	[tilespmem:$0x10200] =	vst v63  }
0x6a: {  	v3 =	vperm.xlane v3, v2;
	s21 =	simm.s32 $0xCA00  }
0x6b: {  	[hbm4b:s5+s2] =	stream.indirect_vreg.scatter [tilespmem:s21], [sflag:$0x2], $0x80, v4, vm0, $0xb8;
	[tilespmem:$0x10200] =	vst v63  }
0x6c: {  	v3 =	vadd.s32 v1, v3;
	s21 =	simm.s32 $0xD200  }
0x6d: {  	[hbm4b:s6+s2] =	stream.indirect_vreg.scatter [tilespmem:s21], [sflag:$0x2], $0x80, v4, vm0, $0xb8;
	[tilespmem:$0x10200] =	vst v63  }
0x6e: {  	s21 =	simm.s32 $0xDA00  }
0x6f: {  	[hbm4b:s7+s2] =	stream.indirect_vreg.scatter [tilespmem:s21], [sflag:$0x2], $0x80, v4, vm0, $0xb8;
	[tilespmem:$0x10200] =	vst v63  }
0x70: {  	s21 =	simm.s32 $0xE200  }
0x71: {  	[hbm4b:s3+s2] =	stream.indirect_vreg.scatter [tilespmem:s21], [sflag:$0x2], $0x80, v3, vm0, $0xb8;
	[tilespmem:$0x10200] =	vst v63  }
0x72: {  	s21 =	simm.s32 $0xEA00  }
0x73: {  	[hbm4b:s5+s2] =	stream.indirect_vreg.scatter [tilespmem:s21], [sflag:$0x2], $0x80, v3, vm0, $0xb8;
	[tilespmem:$0x10200] =	vst v63  }
0x74: {  	s21 =	simm.s32 $0xF200  }
0x75: {  	[hbm4b:s6+s2] =	stream.indirect_vreg.scatter [tilespmem:s21], [sflag:$0x2], $0x80, v3, vm0, $0xb8;
	[tilespmem:$0x10200] =	vst v63  }
0x76: {  	s21 =	simm.s32 $0xFA00  }
0x77: {  	[hbm4b:s7+s2] =	stream.indirect_vreg.scatter [tilespmem:s21], [sflag:$0x2], $0x80, v3, vm0, $0xb8;
	[tilespmem:$0x10200] =	vst v63  }
0x78: {  	_ =	swait.ge [sflag:s4], $0x8000  }
0x79: {  	[sflag:s4] =	ssyncset.done $0x0  }
0x7a: {  	s21 =	rddreg [dreg:$0x5];
	[sflag:s4] =	ssyncadd.s32 $0xFFFF8000  }
0x7b: {  	[tilespmem:s26], [sflag:$0x3] =	stream.linear.gather [hbm4b:s21+s2], $0x8000, $0x38;
	[tilespmem:$0x10200] =	vst v63  }
0x7c: {  	_ =	swait.ge [sflag:s9], $0x8000  }
0x7d: {  	[sflag:s9] =	ssyncset.done $0x0  }
0x7e: {  	[sflag:s9] =	ssyncadd.s32 $0xFFFF8000  }
0x7f: {  	v3 =	vld [tilespmem:$0x100];
	_ =	sdelay $0x4  }
0x80: {  	v60 =	vshll.u32 v3, $0x3  }
0x81: {  	v3 =	vand.u32 $0x7, v3;
	v4 =	vand.u32 $0xFFFFFFC0, v60  }
0x82: {  	v3 =	vor.u32 v3, v4  }
0x83: {  	v4 =	vperm.xlane v3, v0;
	_ =	sdelay $0x1  }
0x84: {  	v4 =	vadd.s32 v1, v4;
	_ =	sdelay $0x4  }
0x85: {  	[hbm4b:s3+s2] =	stream.indirect_vreg.scatter [tilespmem:s26], [sflag:$0x1], $0x80, v4, vm0, $0xb8;
	[tilespmem:$0x10200] =	vst v63  }
0x86: {  	v3 =	vperm.xlane v3, v2  }
0x87: {  	[hbm4b:s5+s2] =	stream.indirect_vreg.scatter [tilespmem:s22], [sflag:$0x1], $0x80, v4, vm0, $0xb8;
	[tilespmem:$0x10200] =	vst v63  }
0x88: {  	v3 =	vadd.s32 v1, v3  }
0x89: {  	[hbm4b:s6+s2] =	stream.indirect_vreg.scatter [tilespmem:s23], [sflag:$0x1], $0x80, v4, vm0, $0xb8;
	[tilespmem:$0x10200] =	vst v63  }
0x8a: {  	_ = 	snop  }
0x8b: {  	[hbm4b:s7+s2] =	stream.indirect_vreg.scatter [tilespmem:s24], [sflag:$0x1], $0x80, v4, vm0, $0xb8;
	[tilespmem:$0x10200] =	vst v63  }
0x8c: {  	_ = 	snop  }
0x8d: {  	[hbm4b:s3+s2] =	stream.indirect_vreg.scatter [tilespmem:s25], [sflag:$0x1], $0x80, v3, vm0, $0xb8;
	[tilespmem:$0x10200] =	vst v63  }
0x8e: {  	_ = 	snop  }
0x8f: {  	[hbm4b:s5+s2] =	stream.indirect_vreg.scatter [tilespmem:s28], [sflag:$0x1], $0x80, v3, vm0, $0xb8;
	[tilespmem:$0x10200] =	vst v63  }
0x90: {  	_ = 	snop  }
0x91: {  	[hbm4b:s6+s2] =	stream.indirect_vreg.scatter [tilespmem:s29], [sflag:$0x1], $0x80, v3, vm0, $0xb8;
	[tilespmem:$0x10200] =	vst v63  }
0x92: {  	_ = 	snop  }
0x93: {  	[hbm4b:s7+s2] =	stream.indirect_vreg.scatter [tilespmem:s30], [sflag:$0x1], $0x80, v3, vm0, $0xb8;
	[tilespmem:$0x10200] =	vst v63  }
0x94: {  	v3 =	vld [tilespmem:$0x110];
	_ =	sdelay $0x4  }
0x95: {  	v61 =	vshll.u32 v3, $0x3  }
0x96: {  	v3 =	vand.u32 $0x7, v3;
	v4 =	vand.u32 $0xFFFFFFC0, v61  }
0x97: {  	v3 =	vor.u32 v3, v4  }
0x98: {  	v4 =	vperm.xlane v3, v0;
	_ =	sdelay $0x1  }
0x99: {  	v4 =	vadd.s32 v1, v4;
	_ =	sdelay $0x4  }
0x9a: {  	[hbm4b:s3+s2] =	stream.indirect_vreg.scatter [tilespmem:s31], [sflag:$0x1], $0x80, v4, vm0, $0xb8;
	[tilespmem:$0x10200] =	vst v63  }
0x9b: {  	v3 =	vperm.xlane v3, v2  }
0x9c: {  	[hbm4b:s5+s2] =	stream.indirect_vreg.scatter [tilespmem:s10], [sflag:$0x1], $0x80, v4, vm0, $0xb8;
	[tilespmem:$0x10200] =	vst v63  }
0x9d: {  	v3 =	vadd.s32 v1, v3  }
0x9e: {  	[hbm4b:s6+s2] =	stream.indirect_vreg.scatter [tilespmem:s1], [sflag:$0x1], $0x80, v4, vm0, $0xb8;
	[tilespmem:$0x10200] =	vst v63  }
0x9f: {  	_ = 	snop  }
0xa0: {  	[hbm4b:s7+s2] =	stream.indirect_vreg.scatter [tilespmem:s11], [sflag:$0x1], $0x80, v4, vm0, $0xb8;
	[tilespmem:$0x10200] =	vst v63  }
0xa1: {  	_ = 	snop  }
0xa2: {  	[hbm4b:s3+s2] =	stream.indirect_vreg.scatter [tilespmem:s12], [sflag:$0x1], $0x80, v3, vm0, $0xb8;
	[tilespmem:$0x10200] =	vst v63  }
0xa3: {  	_ = 	snop  }
0xa4: {  	[hbm4b:s5+s2] =	stream.indirect_vreg.scatter [tilespmem:s13], [sflag:$0x1], $0x80, v3, vm0, $0xb8;
	[tilespmem:$0x10200] =	vst v63  }
0xa5: {  	_ = 	snop  }
0xa6: {  	[hbm4b:s6+s2] =	stream.indirect_vreg.scatter [tilespmem:s14], [sflag:$0x1], $0x80, v3, vm0, $0xb8;
	[tilespmem:$0x10200] =	vst v63  }
0xa7: {  	_ = 	snop  }
0xa8: {  	[hbm4b:s7+s2] =	stream.indirect_vreg.scatter [tilespmem:s15], [sflag:$0x1], $0x80, v3, vm0, $0xb8;
	[tilespmem:$0x10200] =	vst v63  }
0xa9: {  	_ =	swait.ge [sflag:s20], $0x8000  }
0xaa: {  	[sflag:s20] =	ssyncset.done $0x0  }
0xab: {  	s21 =	rddreg [dreg:$0x6];
	[sflag:s20] =	ssyncadd.s32 $0xFFFF8000  }
0xac: {  	[tilespmem:s0], [sflag:$0x3] =	stream.linear.gather [hbm4b:s21+s2], $0x8000, $0x38;
	[tilespmem:$0x10200] =	vst v63  }
0xad: {  	_ =	swait.ge [sflag:s9], $0x8000  }
0xae: {  	[sflag:s9] =	ssyncset.done $0x0  }
0xaf: {  	[sflag:s9] =	ssyncadd.s32 $0xFFFF8000  }
0xb0: {  	v3 =	vld [tilespmem:$0x180];
	_ =	sdelay $0x4  }
0xb1: {  	v62 =	vshll.u32 v3, $0x3  }
0xb2: {  	v3 =	vand.u32 $0x7, v3;
	v4 =	vand.u32 $0xFFFFFFC0, v62  }
0xb3: {  	v3 =	vor.u32 v3, v4  }
0xb4: {  	v4 =	vperm.xlane v3, v0;
	_ =	sdelay $0x1  }
0xb5: {  	v4 =	vadd.s32 v1, v4;
	_ =	sdelay $0x4  }
0xb6: {  	[hbm4b:s3+s2] =	stream.indirect_vreg.scatter [tilespmem:s0], [sflag:$0x2], $0x80, v4, vm0, $0xb8;
	[tilespmem:$0x10200] =	vst v63  }
0xb7: {  	v3 =	vperm.xlane v3, v2  }
0xb8: {  	[hbm4b:s5+s2] =	stream.indirect_vreg.scatter [tilespmem:s16], [sflag:$0x2], $0x80, v4, vm0, $0xb8;
	[tilespmem:$0x10200] =	vst v63  }
0xb9: {  	v3 =	vadd.s32 v1, v3  }
0xba: {  	[hbm4b:s6+s2] =	stream.indirect_vreg.scatter [tilespmem:s17], [sflag:$0x2], $0x80, v4, vm0, $0xb8;
	[tilespmem:$0x10200] =	vst v63  }
0xbb: {  	_ = 	snop  }
0xbc: {  	[hbm4b:s7+s2] =	stream.indirect_vreg.scatter [tilespmem:s18], [sflag:$0x2], $0x80, v4, vm0, $0xb8;
	[tilespmem:$0x10200] =	vst v63  }
0xbd: {  	_ = 	snop  }
0xbe: {  	[hbm4b:s3+s2] =	stream.indirect_vreg.scatter [tilespmem:s19], [sflag:$0x2], $0x80, v3, vm0, $0xb8;
	[tilespmem:$0x10200] =	vst v63  }
0xbf: {  	s21 =	simm.s32 $0xAA00  }
0xc0: {  	[hbm4b:s5+s2] =	stream.indirect_vreg.scatter [tilespmem:s21], [sflag:$0x2], $0x80, v3, vm0, $0xb8;
	[tilespmem:$0x10200] =	vst v63  }
0xc1: {  	s21 =	simm.s32 $0xB200  }
0xc2: {  	[hbm4b:s6+s2] =	stream.indirect_vreg.scatter [tilespmem:s21], [sflag:$0x2], $0x80, v3, vm0, $0xb8;
	[tilespmem:$0x10200] =	vst v63  }
0xc3: {  	s21 =	simm.s32 $0xBA00  }
0xc4: {  	[hbm4b:s7+s2] =	stream.indirect_vreg.scatter [tilespmem:s21], [sflag:$0x2], $0x80, v3, vm0, $0xb8;
	[tilespmem:$0x10200] =	vst v63  }
0xc5: {  	v3 =	vld [tilespmem:$0x190];
	_ =	sdelay $0x4  }
0xc6: {  	v63 =	vshll.u32 v3, $0x3  }
0xc7: {  	v3 =	vand.u32 $0x7, v3;
	v4 =	vand.u32 $0xFFFFFFC0, v63  }
0xc8: {  	v3 =	vor.u32 v3, v4  }
0xc9: {  	v4 =	vperm.xlane v3, v0;
	_ =	sdelay $0x1  }
0xca: {  	v4 =	vadd.s32 v1, v4;
	_ =	sdelay $0x3  }
0xcb: {  	s21 =	simm.s32 $0xC200  }
0xcc: {  	[hbm4b:s3+s2] =	stream.indirect_vreg.scatter [tilespmem:s21], [sflag:$0x2], $0x80, v4, vm0, $0xb8;
	[tilespmem:$0x10200] =	vst v63  }
0xcd: {  	v3 =	vperm.xlane v3, v2;
	s21 =	simm.s32 $0xCA00  }
0xce: {  	[hbm4b:s5+s2] =	stream.indirect_vreg.scatter [tilespmem:s21], [sflag:$0x2], $0x80, v4, vm0, $0xb8;
	[tilespmem:$0x10200] =	vst v63  }
0xcf: {  	v3 =	vadd.s32 v1, v3;
	s21 =	simm.s32 $0xD200  }
0xd0: {  	[hbm4b:s6+s2] =	stream.indirect_vreg.scatter [tilespmem:s21], [sflag:$0x2], $0x80, v4, vm0, $0xb8;
	[tilespmem:$0x10200] =	vst v63  }
0xd1: {  	s21 =	simm.s32 $0xDA00  }
0xd2: {  	[hbm4b:s7+s2] =	stream.indirect_vreg.scatter [tilespmem:s21], [sflag:$0x2], $0x80, v4, vm0, $0xb8;
	[tilespmem:$0x10200] =	vst v63  }
0xd3: {  	s21 =	simm.s32 $0xE200  }
0xd4: {  	[hbm4b:s3+s2] =	stream.indirect_vreg.scatter [tilespmem:s21], [sflag:$0x2], $0x80, v3, vm0, $0xb8;
	[tilespmem:$0x10200] =	vst v63  }
0xd5: {  	s21 =	simm.s32 $0xEA00  }
0xd6: {  	[hbm4b:s5+s2] =	stream.indirect_vreg.scatter [tilespmem:s21], [sflag:$0x2], $0x80, v3, vm0, $0xb8;
	[tilespmem:$0x10200] =	vst v63  }
0xd7: {  	s21 =	simm.s32 $0xF200  }
0xd8: {  	[hbm4b:s6+s2] =	stream.indirect_vreg.scatter [tilespmem:s21], [sflag:$0x2], $0x80, v3, vm0, $0xb8;
	[tilespmem:$0x10200] =	vst v63  }
0xd9: {  	s21 =	simm.s32 $0xFA00  }
0xda: {  	[hbm4b:s7+s2] =	stream.indirect_vreg.scatter [tilespmem:s21], [sflag:$0x2], $0x80, v3, vm0, $0xb8;
	[tilespmem:$0x10200] =	vst v63  }
0xdb: {  	p0 =	sne.s32 s8, $0x1;
	_ =	swait.ge [sflag:s4], $0x8000  }
.Ltmp0:
0xdc: {  	[sflag:s4] =	ssyncset.done $0x0;
	(pc) =	sbr.rel @p0 .LBB2_1-.Ltmp0, $4  }
0xdd: {  	[sflag:s4] =	ssyncadd.s32 $0xFFFF8000  }
0xde: {  	_ =	swait.ge [sflag:s20], $0x8000  }
0xdf: {  	[sflag:s20] =	ssyncset.done $0x0  }
0xe0: {  	s8 =	sadd.s32 $0xFFFFFFFF, s8;
	[sflag:s20] =	ssyncadd.s32 $0xFFFF8000  }
0xe1: {  	_ =	sfence.sel $0x180000  }
0xe2: {  	[bflag:$0x0] =	sbarrier.arrive $0xFFFF  }
0xe3: {  	_ =	strace $0x90000047  }
0xe4: {  	s0 =	stileid.u32;
	[bflag:$0x2] =	sbarrier.arrive $0xFFFF  }
0xe5: {  	p0 =	sne.s32 s0, $0x0;
	s0 =	rddreg [dreg:$0x2]  }
0xe6: {  	s0 =	sadd.s32 @!p0 $0x100000, s0  }
0xe7: {  	[sflag:s0] =	ssyncadd.tile.s32 @!p0 $0x1;
	_ =	shalt  }
.Lfunc_end2:
_tile_overlayer_lowered:
.L_overlay_start_2:
0xe8: {  	(tag) =	ssettag $0x2  }
0xe9: {  	s0 =	rddreg [dreg:$0x0];
	s2 =	stileid.u32  }
0xea: {  	s1 =	rddreg [dreg:$0x1];
	p0 =	sne.s32 s2, $0x0  }
0xeb: {  	s3 =	rddreg [dreg:$0x2];
	[bflag:$0x3] =	sbarrier.arrive $0xFFFF;
	s2 =	simm.s32 @!p0 $0x1C03  }
0xec: {  	[timem:s3], [sflag:s2] =	dma.local @!p0 [hbm:s0], s1  }
0xed: {  	s0 =	simm.s32 @!p0 $0x3  }
0xee: {  	_ =	swait.ge @!p0 [sflag:s0], s1  }
0xef: {  	s1 =	ssub.s32 @!p0 $0x0, s1;
	[sflag:s0] =	ssyncset.done @!p0 $0x0  }
0xf0: {  	[sflag:s0] =	ssyncadd.s32 @!p0 s1  }
0xf1: {  	[bflag:$0x3] =	sbarrier.arrive $0xFFFF  }
0xf2: {  	_ =	shalt  }

</sc_bundles>
